<compile_context>
chip_gen: v7x
topology: tpu7x:2x2x1
jax: 0.10.2.dev20260603
libtpu: 0.0.44.dev20260713+nightly
codegen_flags: <defaults>
</compile_context>

<pallas_src>
import functools

import jax
import jax.numpy as jnp
from jax import lax
from jax.experimental import pallas as pl
from jax.experimental.pallas import tpu as pltpu
from jax.experimental.pallas import tpu_sc as plsc

_VOCAB = 100000
_DIN = 64
_DOUT = 20
_DPAD = 32
_BATCH = 16384
_SEQ = 50
_N = _BATCH * _SEQ
_Q = 128 // _DPAD

_TR = 4000
_IB = 128

_AB = _BATCH // _Q
_UA = 128
_UI = _AB // _UA


def _table_body(e0, e1, e2, e3, w_ref, b_ref, t_ref):
    parts = []
    for e in (e0, e1, e2, e3):
        logits = jnp.dot(e[...], w_ref[...], preferred_element_type=jnp.float32)
        parts.append(jax.nn.sigmoid(logits + b_ref[...]))
    t_ref[...] = jnp.concatenate(parts, axis=1)


def _project_table(emb_r, w, b):
    nblk = _VOCAB // _TR
    pr = _TR // _Q
    espec = lambda q: pl.BlockSpec((pr, _DIN), lambda i, q=q: (q * nblk + i, 0))
    return pl.pallas_call(
        _table_body,
        grid=(nblk,),
        in_specs=[
            espec(0), espec(1), espec(2), espec(3),
            pl.BlockSpec((_DIN, _DPAD), lambda i: (0, 0)),
            pl.BlockSpec((1, _DPAD), lambda i: (0, 0)),
        ],
        out_specs=pl.BlockSpec((pr, 128), lambda i: (i, 0)),
        out_shape=jax.ShapeDtypeStruct((_VOCAB // _Q, 128), jnp.float32),
    )(emb_r, emb_r, emb_r, emb_r, w, b)


@functools.lru_cache(maxsize=1)
def _make_gather():
    info = plsc.get_sparse_core_info()
    nc, ns = info.num_cores, info.num_subcores
    nw = nc * ns
    per_w = _N // nw
    steps = per_w // _IB
    mesh = plsc.VectorSubcoreMesh(core_axis_name="c", subcore_axis_name="s")

    grp = 4
    ngrp = steps // grp

    @functools.partial(
        pl.kernel,
        mesh=mesh,
        out_type=jax.ShapeDtypeStruct((_N, _DPAD), jnp.float32),
        scratch_types=[
            pltpu.VMEM((steps, _IB), jnp.int32),
            pltpu.VMEM((2, grp * _IB, _DPAD), jnp.float32),
            pltpu.SemaphoreType.DMA,
            pltpu.SemaphoreType.DMA,
            pltpu.SemaphoreType.DMA,
            pltpu.SemaphoreType.DMA,
        ],
        compiler_params=pltpu.CompilerParams(use_tc_tiling_on_sc=False),
    )
    def gather(table_hbm, idx_hbm, out_hbm, idx_v, rows_v, gs0, gs1, ws0, ws1):
        gs = (gs0, gs1)
        ws = (ws0, ws1)
        wid = lax.axis_index("s") * nc + lax.axis_index("c")
        pltpu.sync_copy(idx_hbm.at[pl.ds(wid * steps, steps)], idx_v)
        base = wid * per_w
        grows = grp * _IB

        def fire(g, b):
            for r in range(grp):
                pltpu.async_copy(
                    table_hbm.at[idx_v.at[g * grp + r]],
                    rows_v.at[b].at[pl.ds(r * _IB, _IB)],
                    gs[b],
                )

        def drain(sem, b):
            pltpu.make_async_copy(
                out_hbm.at[pl.ds(base, grows)], rows_v.at[b], sem
            ).wait()

        fire(0, 0)

        @pl.loop(0, ngrp // 2)
        def _(p):
            for b in (0, 1):
                g = 2 * p + b
                b2 = 1 - b

                @pl.when(g + 1 < ngrp)
                def _():
                    @pl.when(g >= 1)
                    def _():
                        drain(ws[b2], b2)

                    fire(g + 1, b2)

                drain(gs[b], b)
                pltpu.async_copy(
                    rows_v.at[b], out_hbm.at[pl.ds(base + g * grows, grows)], ws[b]
                )

        drain(ws[0], 0)
        drain(ws[1], 1)

    return gather


def _unpack_body(p_ref, e_ref, il_ref, o_ref):
    parts = [
        lax.dot_general(
            e_ref[q], p_ref[...], (((1,), (2,)), ((), ())),
            preferred_element_type=jnp.float32,
        )
        for q in range(_Q)
    ]
    c = jnp.concatenate(parts, axis=2)
    o_ref[...] = lax.dot_general(
        c, il_ref[...], (((2,), (0,)), ((), ())),
        preferred_element_type=jnp.float32,
    )


def _unpack(packed3, esel, ilv):
    return pl.pallas_call(
        _unpack_body,
        grid=(_UI,),
        in_specs=[
            pl.BlockSpec((_SEQ, _UA, 128), lambda i: (0, i, 0)),
            pl.BlockSpec((_Q, _DOUT, 128), lambda i: (0, 0, 0)),
            pl.BlockSpec((_Q * _UA, _Q * _UA), lambda i: (0, 0)),
        ],
        out_specs=pl.BlockSpec(
            (_DOUT, _SEQ, _Q * _UA), lambda i: (0, 0, i)
        ),
        out_shape=jax.ShapeDtypeStruct((_DOUT, _SEQ, _BATCH), jnp.float32),
    )(packed3, esel, ilv)


def _selectors():
    j = jnp.arange(128)
    d = jnp.arange(_DOUT)
    e = (j[None, None, :] == (32 * jnp.arange(_Q)[:, None, None] + d[None, :, None]))
    return e.astype(jnp.float32)


def _interleaver():
    g = jnp.arange(_Q * _UA)
    c = jnp.arange(_Q * _UA)
    return ((c[None, :] % _Q) * _UA + c[None, :] // _Q == g[:, None]).astype(
        jnp.float32
    )


def kernel(x, emb, W, b):
    wp = jnp.pad(W, ((0, 0), (0, _DPAD - _DOUT)))
    bp = jnp.pad(b, (0, _DPAD - _DOUT)).reshape(1, _DPAD)
    emb_r = emb.reshape(_VOCAB // _Q, _Q, _DIN).transpose(1, 0, 2).reshape(_VOCAB, _DIN)
    table = _project_table(emb_r, wp, bp)

    idx_nat = x.astype(jnp.int32).T.reshape(_N // _IB, _IB)

    out_sc = _make_gather()(table.reshape(_VOCAB, _DPAD), idx_nat)
    packed3 = out_sc.reshape(_SEQ, _AB, 128)
    final_t = _unpack(packed3, _selectors(), _interleaver())
    return final_t.transpose(2, 1, 0)

# --- scband reference (transcript-rebuilt; emitter-appended) ---
"""Pipeline reference for scband-genre-classifier-logistic-15642270892048 (READ-ONLY COPY).

The authoritative reference and input builder live on the scoring server;
editing this copy changes nothing except your own understanding.
"""

import jax, jax.numpy as jnp
import numpy as np

VOCAB = 100000
EMBED_DIM = 64
OUTPUT_DIM = 20
BATCH = 16384
SEQ = 50


def setup_inputs(seed: int = 0) -> dict:
    key = jax.random.key(seed)
    k1, k2, k3 = jax.random.split(key, 3)
    x = jax.random.randint(k1, (BATCH, SEQ), 0, VOCAB, dtype=jnp.int64 if jax.config.jax_enable_x64 else jnp.int32)
    emb = jax.random.normal(k2, (VOCAB, EMBED_DIM), dtype=jnp.float32) * 0.02
    W = jax.random.normal(k3, (EMBED_DIM, OUTPUT_DIM), dtype=jnp.float32) * 0.05
    b = jnp.zeros((OUTPUT_DIM,), dtype=jnp.float32)
    return {"x": x, "emb": emb, "W": W, "b": b}


def reference(x, emb, W, b):
    # x = x.long(); embedding lookup
    e = jnp.take(emb, x, axis=0)              # [B, L, D]
    logits = jnp.matmul(e, W) + b             # [B, L, OUT]
    return jax.nn.sigmoid(logits)

if __name__ == "__main__":
    import jax
    _d = setup_inputs()
    print(jax.jit(kernel)(*tuple(_d.values())))

</pallas_src>

<mosaic_0001>
#map = affine_map<(d0, d1) -> (0, 0)>
module attributes {stable_mosaic.version = 14 : i64} {
  func.func @gather(%arg0: i32, %arg1: i32, %arg2: memref<100000x32xf32, #tpu.memory_space<hbm>>, %arg3: memref<6400x128xi32, #tpu.memory_space<hbm>>, %arg4: memref<819200x32xf32, #tpu.memory_space<hbm>>, %arg5: memref<200x128xi32, #tpu.memory_space<vmem>>, %arg6: memref<2x512x32xf32, #tpu.memory_space<vmem>>, %arg7: memref<!tpu.dma_semaphore, #tpu.memory_space<semaphore_mem>>, %arg8: memref<!tpu.dma_semaphore, #tpu.memory_space<semaphore_mem>>, %arg9: memref<!tpu.dma_semaphore, #tpu.memory_space<semaphore_mem>>, %arg10: memref<!tpu.dma_semaphore, #tpu.memory_space<semaphore_mem>>) attributes {dimension_semantics = [#tpu.dimension_semantics<core_parallel>, #tpu.dimension_semantics<subcore_parallel>], iteration_bounds = array<i64: 2, 16>, scalar_prefetch = 0 : i64, scratch_operands = 6 : i64, tpu.core_type = #tpu.core_type<sc_vector_subcore>, window_params = [{transform_indices = #map}, {transform_indices = #map}, {transform_indices = #map}]} {
    %mul3A = arith.constant 2 : i32
    %mul3A_0 = arith.muli %arg1, %mul3A : i32
    %add3A = arith.addi %mul3A_0, %arg0 : i32
    %mul3A_1 = arith.constant 200 : i32
    %mul3A_2 = arith.muli %add3A, %mul3A_1 : i32
    "tpu.region"() ({
      %run_scoped3A = tpu.sem_alloc : memref<!tpu.dma_semaphore, #tpu.memory_space<semaphore_mem>>
      %dma_start3A_93 = arith.constant 0 : i32
      %dma_start3A_94 = tpu.memref_slice %arg3[%mul3A_2, %dma_start3A_93] : memref<6400x128xi32, #tpu.memory_space<hbm>> -> memref<200x128xi32, #tpu.memory_space<hbm>>
      %dma_start3A_95 = arith.constant 0 : i32
      %dma_start3A_96 = tpu.memref_slice %arg3[%mul3A_2, %dma_start3A_95] : memref<6400x128xi32, #tpu.memory_space<hbm>> -> memref<200x128xi32, #tpu.memory_space<hbm>>
      tpu.enqueue_dma source(%dma_start3A_96 : memref<200x128xi32, #tpu.memory_space<hbm>>) target(%arg5 : memref<200x128xi32, #tpu.memory_space<vmem>>) target_semaphore(%run_scoped3A : memref<!tpu.dma_semaphore, #tpu.memory_space<semaphore_mem>>)
      %dma_wait3A_97 = arith.constant 0 : i32
      %dma_wait3A_98 = tpu.memref_slice %arg3[%mul3A_2, %dma_wait3A_97] : memref<6400x128xi32, #tpu.memory_space<hbm>> -> memref<200x128xi32, #tpu.memory_space<hbm>>
      %dma_wait3A_99 = arith.constant 0 : i32
      %dma_wait3A_100 = tpu.memref_slice %arg3[%mul3A_2, %dma_wait3A_99] : memref<6400x128xi32, #tpu.memory_space<hbm>> -> memref<200x128xi32, #tpu.memory_space<hbm>>
      tpu.wait_dma2 semaphore(%run_scoped3A : memref<!tpu.dma_semaphore, #tpu.memory_space<semaphore_mem>>) src(%dma_wait3A_100 : memref<200x128xi32, #tpu.memory_space<hbm>>) dst(%arg5 : memref<200x128xi32, #tpu.memory_space<vmem>>)
      tpu.yield
    }) : () -> ()
    %mul3A_3 = arith.constant 25600 : i32
    %mul3A_4 = arith.muli %add3A, %mul3A_3 : i32
    %dma_start3A = arith.constant 0 : i32
    %dma_start3A_5 = arith.constant 0 : i32
    %dma_start3A_6 = arith.constant 0 : i32
    %dma_start3A_7 = arith.constant 0 : i32
    %dma_start3A_8 = tpu.memref_slice %arg6[%dma_start3A_5, %dma_start3A_6, %dma_start3A_7] : memref<2x512x32xf32, #tpu.memory_space<vmem>> -> memref<1x512x32xf32, #tpu.memory_space<vmem>>
    %dma_start3A_9 = tpu.memref_squeeze %dma_start3A_8 : memref<1x512x32xf32, #tpu.memory_space<vmem>> -> memref<512x32xf32, #tpu.memory_space<vmem>>
    %dma_start3A_10 = arith.constant 0 : i32
    %dma_start3A_11 = arith.constant 0 : i32
    %dma_start3A_12 = tpu.memref_slice %dma_start3A_9[%dma_start3A_10, %dma_start3A_11] : memref<512x32xf32, #tpu.memory_space<vmem>> -> memref<128x32xf32, #tpu.memory_space<vmem>>
    %dma_start3A_13 = arith.constant 0 : i32
    %dma_start3A_14 = tpu.memref_slice %arg5[%dma_start3A, %dma_start3A_13] : memref<200x128xi32, #tpu.memory_space<vmem>> -> memref<1x128xi32, #tpu.memory_space<vmem>>
    %dma_start3A_15 = tpu.memref_squeeze %dma_start3A_14 : memref<1x128xi32, #tpu.memory_space<vmem>> -> memref<128xi32, #tpu.memory_space<vmem>>
    %dma_start3A_16 = arith.constant 0 : i32
    %dma_start3A_17 = arith.constant 0 : i32
    %dma_start3A_18 = tpu.memref_slice %arg2[%dma_start3A_16, %dma_start3A_17] : memref<100000x32xf32, #tpu.memory_space<hbm>> -> memref<100000x32xf32, #tpu.memory_space<hbm>>
    tpu.enqueue_indirect_dma source(%dma_start3A_18 : memref<100000x32xf32, #tpu.memory_space<hbm>>) target(%dma_start3A_12 : memref<128x32xf32, #tpu.memory_space<vmem>>) offsets(%dma_start3A_15 : memref<128xi32, #tpu.memory_space<vmem>>) semaphore(%arg7 : memref<!tpu.dma_semaphore, #tpu.memory_space<semaphore_mem>>)
    %dma_start3A_19 = arith.constant 1 : i32
    %dma_start3A_20 = arith.constant 0 : i32
    %dma_start3A_21 = arith.constant 0 : i32
    %dma_start3A_22 = arith.constant 0 : i32
    %dma_start3A_23 = tpu.memref_slice %arg6[%dma_start3A_20, %dma_start3A_21, %dma_start3A_22] : memref<2x512x32xf32, #tpu.memory_space<vmem>> -> memref<1x512x32xf32, #tpu.memory_space<vmem>>
    %dma_start3A_24 = tpu.memref_squeeze %dma_start3A_23 : memref<1x512x32xf32, #tpu.memory_space<vmem>> -> memref<512x32xf32, #tpu.memory_space<vmem>>
    %dma_start3A_25 = arith.constant 128 : i32
    %dma_start3A_26 = arith.constant 0 : i32
    %dma_start3A_27 = tpu.memref_slice %dma_start3A_24[%dma_start3A_25, %dma_start3A_26] : memref<512x32xf32, #tpu.memory_space<vmem>> -> memref<128x32xf32, #tpu.memory_space<vmem>>
    %dma_start3A_28 = arith.constant 0 : i32
    %dma_start3A_29 = tpu.memref_slice %arg5[%dma_start3A_19, %dma_start3A_28] : memref<200x128xi32, #tpu.memory_space<vmem>> -> memref<1x128xi32, #tpu.memory_space<vmem>>
    %dma_start3A_30 = tpu.memref_squeeze %dma_start3A_29 : memref<1x128xi32, #tpu.memory_space<vmem>> -> memref<128xi32, #tpu.memory_space<vmem>>
    %dma_start3A_31 = arith.constant 0 : i32
    %dma_start3A_32 = arith.constant 0 : i32
    %dma_start3A_33 = tpu.memref_slice %arg2[%dma_start3A_31, %dma_start3A_32] : memref<100000x32xf32, #tpu.memory_space<hbm>> -> memref<100000x32xf32, #tpu.memory_space<hbm>>
    tpu.enqueue_indirect_dma source(%dma_start3A_33 : memref<100000x32xf32, #tpu.memory_space<hbm>>) target(%dma_start3A_27 : memref<128x32xf32, #tpu.memory_space<vmem>>) offsets(%dma_start3A_30 : memref<128xi32, #tpu.memory_space<vmem>>) semaphore(%arg7 : memref<!tpu.dma_semaphore, #tpu.memory_space<semaphore_mem>>)
    %dma_start3A_34 = arith.constant 2 : i32
    %dma_start3A_35 = arith.constant 0 : i32
    %dma_start3A_36 = arith.constant 0 : i32
    %dma_start3A_37 = arith.constant 0 : i32
    %dma_start3A_38 = tpu.memref_slice %arg6[%dma_start3A_35, %dma_start3A_36, %dma_start3A_37] : memref<2x512x32xf32, #tpu.memory_space<vmem>> -> memref<1x512x32xf32, #tpu.memory_space<vmem>>
    %dma_start3A_39 = tpu.memref_squeeze %dma_start3A_38 : memref<1x512x32xf32, #tpu.memory_space<vmem>> -> memref<512x32xf32, #tpu.memory_space<vmem>>
    %dma_start3A_40 = arith.constant 256 : i32
    %dma_start3A_41 = arith.constant 0 : i32
    %dma_start3A_42 = tpu.memref_slice %dma_start3A_39[%dma_start3A_40, %dma_start3A_41] : memref<512x32xf32, #tpu.memory_space<vmem>> -> memref<128x32xf32, #tpu.memory_space<vmem>>
    %dma_start3A_43 = arith.constant 0 : i32
    %dma_start3A_44 = tpu.memref_slice %arg5[%dma_start3A_34, %dma_start3A_43] : memref<200x128xi32, #tpu.memory_space<vmem>> -> memref<1x128xi32, #tpu.memory_space<vmem>>
    %dma_start3A_45 = tpu.memref_squeeze %dma_start3A_44 : memref<1x128xi32, #tpu.memory_space<vmem>> -> memref<128xi32, #tpu.memory_space<vmem>>
    %dma_start3A_46 = arith.constant 0 : i32
    %dma_start3A_47 = arith.constant 0 : i32
    %dma_start3A_48 = tpu.memref_slice %arg2[%dma_start3A_46, %dma_start3A_47] : memref<100000x32xf32, #tpu.memory_space<hbm>> -> memref<100000x32xf32, #tpu.memory_space<hbm>>
    tpu.enqueue_indirect_dma source(%dma_start3A_48 : memref<100000x32xf32, #tpu.memory_space<hbm>>) target(%dma_start3A_42 : memref<128x32xf32, #tpu.memory_space<vmem>>) offsets(%dma_start3A_45 : memref<128xi32, #tpu.memory_space<vmem>>) semaphore(%arg7 : memref<!tpu.dma_semaphore, #tpu.memory_space<semaphore_mem>>)
    %dma_start3A_49 = arith.constant 3 : i32
    %dma_start3A_50 = arith.constant 0 : i32
    %dma_start3A_51 = arith.constant 0 : i32
    %dma_start3A_52 = arith.constant 0 : i32
    %dma_start3A_53 = tpu.memref_slice %arg6[%dma_start3A_50, %dma_start3A_51, %dma_start3A_52] : memref<2x512x32xf32, #tpu.memory_space<vmem>> -> memref<1x512x32xf32, #tpu.memory_space<vmem>>
    %dma_start3A_54 = tpu.memref_squeeze %dma_start3A_53 : memref<1x512x32xf32, #tpu.memory_space<vmem>> -> memref<512x32xf32, #tpu.memory_space<vmem>>
    %dma_start3A_55 = arith.constant 384 : i32
    %dma_start3A_56 = arith.constant 0 : i32
    %dma_start3A_57 = tpu.memref_slice %dma_start3A_54[%dma_start3A_55, %dma_start3A_56] : memref<512x32xf32, #tpu.memory_space<vmem>> -> memref<128x32xf32, #tpu.memory_space<vmem>>
    %dma_start3A_58 = arith.constant 0 : i32
    %dma_start3A_59 = tpu.memref_slice %arg5[%dma_start3A_49, %dma_start3A_58] : memref<200x128xi32, #tpu.memory_space<vmem>> -> memref<1x128xi32, #tpu.memory_space<vmem>>
    %dma_start3A_60 = tpu.memref_squeeze %dma_start3A_59 : memref<1x128xi32, #tpu.memory_space<vmem>> -> memref<128xi32, #tpu.memory_space<vmem>>
    %dma_start3A_61 = arith.constant 0 : i32
    %dma_start3A_62 = arith.constant 0 : i32
    %dma_start3A_63 = tpu.memref_slice %arg2[%dma_start3A_61, %dma_start3A_62] : memref<100000x32xf32, #tpu.memory_space<hbm>> -> memref<100000x32xf32, #tpu.memory_space<hbm>>
    tpu.enqueue_indirect_dma source(%dma_start3A_63 : memref<100000x32xf32, #tpu.memory_space<hbm>>) target(%dma_start3A_57 : memref<128x32xf32, #tpu.memory_space<vmem>>) offsets(%dma_start3A_60 : memref<128xi32, #tpu.memory_space<vmem>>) semaphore(%arg7 : memref<!tpu.dma_semaphore, #tpu.memory_space<semaphore_mem>>)
    %scan3A = arith.constant 0 : i32
    %scan3A_64 = arith.constant 25 : i32
    %scan3A_65 = arith.addi %scan3A, %scan3A_64 : i32
    %scan3A_66 = arith.constant 1 : i32
    scf.for %scan3A_93 = %scan3A to %scan3A_65 step %scan3A_66  : i32 {
      %mul3A_94 = arith.constant 1 : i32
      %mul3A_95 = arith.muli %scan3A_93, %mul3A_94 : i32
      %add3A_96 = arith.constant 0 : i32
      %add3A_97 = arith.addi %add3A_96, %mul3A_95 : i32
      %mul3A_98 = arith.constant 2 : i32
      %mul3A_99 = arith.muli %mul3A_98, %add3A_97 : i32
      %add3A_100 = arith.constant 0 : i32
      %add3A_101 = arith.addi %mul3A_99, %add3A_100 : i32
      %add3A_102 = arith.constant 1 : i32
      %add3A_103 = arith.addi %add3A_101, %add3A_102 : i32
      %lt3A = arith.constant 50 : i32
      %lt3A_104 = arith.cmpi slt, %add3A_103, %lt3A : i32
      %convert_element_type3A = arith.extui %lt3A_104 : i1 to i32
      %cond3A = arith.constant 0 : i32
      %cond3A_105 = arith.cmpi ne, %convert_element_type3A, %cond3A : i32
      scf.if %cond3A_105 {
        %ge3A = arith.constant 1 : i32
        %ge3A_175 = arith.cmpi sge, %add3A_101, %ge3A : i32
        %convert_element_type3A_176 = arith.extui %ge3A_175 : i1 to i32
        %cond3A_177 = arith.constant 0 : i32
        %cond3A_178 = arith.cmpi ne, %convert_element_type3A_176, %cond3A_177 : i32
        scf.if %cond3A_178 {
          %dma_wait3A_253 = arith.constant 1 : i32
          %dma_wait3A_254 = arith.constant 0 : i32
          %dma_wait3A_255 = arith.constant 0 : i32
          %dma_wait3A_256 = tpu.memref_slice %arg6[%dma_wait3A_253, %dma_wait3A_254, %dma_wait3A_255] : memref<2x512x32xf32, #tpu.memory_space<vmem>> -> memref<1x512x32xf32, #tpu.memory_space<vmem>>
          %dma_wait3A_257 = tpu.memref_squeeze %dma_wait3A_256 : memref<1x512x32xf32, #tpu.memory_space<vmem>> -> memref<512x32xf32, #tpu.memory_space<vmem>>
          %dma_wait3A_258 = arith.constant 0 : i32
          %dma_wait3A_259 = tpu.memref_slice %arg4[%mul3A_4, %dma_wait3A_258] : memref<819200x32xf32, #tpu.memory_space<hbm>> -> memref<512x32xf32, #tpu.memory_space<hbm>>
          %dma_wait3A_260 = arith.constant 0 : i32
          %dma_wait3A_261 = arith.constant 0 : i32
          %dma_wait3A_262 = tpu.memref_slice %arg6[%dma_wait3A_253, %dma_wait3A_260, %dma_wait3A_261] : memref<2x512x32xf32, #tpu.memory_space<vmem>> -> memref<1x512x32xf32, #tpu.memory_space<vmem>>
          %dma_wait3A_263 = tpu.memref_squeeze %dma_wait3A_262 : memref<1x512x32xf32, #tpu.memory_space<vmem>> -> memref<512x32xf32, #tpu.memory_space<vmem>>
          %dma_wait3A_264 = arith.constant 0 : i32
          %dma_wait3A_265 = tpu.memref_slice %arg4[%mul3A_4, %dma_wait3A_264] : memref<819200x32xf32, #tpu.memory_space<hbm>> -> memref<512x32xf32, #tpu.memory_space<hbm>>
          tpu.wait_dma2 semaphore(%arg10 : memref<!tpu.dma_semaphore, #tpu.memory_space<semaphore_mem>>) src(%dma_wait3A_265 : memref<512x32xf32, #tpu.memory_space<hbm>>) dst(%dma_wait3A_263 : memref<512x32xf32, #tpu.memory_space<vmem>>)
        } else {
        }
        %add3A_179 = arith.constant 1 : i32
        %add3A_180 = arith.addi %add3A_101, %add3A_179 : i32
        %mul3A_181 = arith.constant 4 : i32
        %mul3A_182 = arith.muli %add3A_180, %mul3A_181 : i32
        %add3A_183 = arith.constant 0 : i32
        %add3A_184 = arith.addi %mul3A_182, %add3A_183 : i32
        %dma_start3A_185 = arith.constant 1 : i32
        %dma_start3A_186 = arith.constant 0 : i32
        %dma_start3A_187 = arith.constant 0 : i32
        %dma_start3A_188 = tpu.memref_slice %arg6[%dma_start3A_185, %dma_start3A_186, %dma_start3A_187] : memref<2x512x32xf32, #tpu.memory_space<vmem>> -> memref<1x512x32xf32, #tpu.memory_space<vmem>>
        %dma_start3A_189 = tpu.memref_squeeze %dma_start3A_188 : memref<1x512x32xf32, #tpu.memory_space<vmem>> -> memref<512x32xf32, #tpu.memory_space<vmem>>
        %dma_start3A_190 = arith.constant 0 : i32
        %dma_start3A_191 = arith.constant 0 : i32
        %dma_start3A_192 = tpu.memref_slice %dma_start3A_189[%dma_start3A_190, %dma_start3A_191] : memref<512x32xf32, #tpu.memory_space<vmem>> -> memref<128x32xf32, #tpu.memory_space<vmem>>
        %dma_start3A_193 = arith.constant 0 : i32
        %dma_start3A_194 = tpu.memref_slice %arg5[%add3A_184, %dma_start3A_193] : memref<200x128xi32, #tpu.memory_space<vmem>> -> memref<1x128xi32, #tpu.memory_space<vmem>>
        %dma_start3A_195 = tpu.memref_squeeze %dma_start3A_194 : memref<1x128xi32, #tpu.memory_space<vmem>> -> memref<128xi32, #tpu.memory_space<vmem>>
        %dma_start3A_196 = arith.constant 0 : i32
        %dma_start3A_197 = arith.constant 0 : i32
        %dma_start3A_198 = tpu.memref_slice %arg2[%dma_start3A_196, %dma_start3A_197] : memref<100000x32xf32, #tpu.memory_space<hbm>> -> memref<100000x32xf32, #tpu.memory_space<hbm>>
        tpu.enqueue_indirect_dma source(%dma_start3A_198 : memref<100000x32xf32, #tpu.memory_space<hbm>>) target(%dma_start3A_192 : memref<128x32xf32, #tpu.memory_space<vmem>>) offsets(%dma_start3A_195 : memref<128xi32, #tpu.memory_space<vmem>>) semaphore(%arg8 : memref<!tpu.dma_semaphore, #tpu.memory_space<semaphore_mem>>)
        %mul3A_199 = arith.constant 4 : i32
        %mul3A_200 = arith.muli %add3A_180, %mul3A_199 : i32
        %add3A_201 = arith.constant 1 : i32
        %add3A_202 = arith.addi %mul3A_200, %add3A_201 : i32
        %dma_start3A_203 = arith.constant 1 : i32
        %dma_start3A_204 = arith.constant 0 : i32
        %dma_start3A_205 = arith.constant 0 : i32
        %dma_start3A_206 = tpu.memref_slice %arg6[%dma_start3A_203, %dma_start3A_204, %dma_start3A_205] : memref<2x512x32xf32, #tpu.memory_space<vmem>> -> memref<1x512x32xf32, #tpu.memory_space<vmem>>
        %dma_start3A_207 = tpu.memref_squeeze %dma_start3A_206 : memref<1x512x32xf32, #tpu.memory_space<vmem>> -> memref<512x32xf32, #tpu.memory_space<vmem>>
        %dma_start3A_208 = arith.constant 128 : i32
        %dma_start3A_209 = arith.constant 0 : i32
        %dma_start3A_210 = tpu.memref_slice %dma_start3A_207[%dma_start3A_208, %dma_start3A_209] : memref<512x32xf32, #tpu.memory_space<vmem>> -> memref<128x32xf32, #tpu.memory_space<vmem>>
        %dma_start3A_211 = arith.constant 0 : i32
        %dma_start3A_212 = tpu.memref_slice %arg5[%add3A_202, %dma_start3A_211] : memref<200x128xi32, #tpu.memory_space<vmem>> -> memref<1x128xi32, #tpu.memory_space<vmem>>
        %dma_start3A_213 = tpu.memref_squeeze %dma_start3A_212 : memref<1x128xi32, #tpu.memory_space<vmem>> -> memref<128xi32, #tpu.memory_space<vmem>>
        %dma_start3A_214 = arith.constant 0 : i32
        %dma_start3A_215 = arith.constant 0 : i32
        %dma_start3A_216 = tpu.memref_slice %arg2[%dma_start3A_214, %dma_start3A_215] : memref<100000x32xf32, #tpu.memory_space<hbm>> -> memref<100000x32xf32, #tpu.memory_space<hbm>>
        tpu.enqueue_indirect_dma source(%dma_start3A_216 : memref<100000x32xf32, #tpu.memory_space<hbm>>) target(%dma_start3A_210 : memref<128x32xf32, #tpu.memory_space<vmem>>) offsets(%dma_start3A_213 : memref<128xi32, #tpu.memory_space<vmem>>) semaphore(%arg8 : memref<!tpu.dma_semaphore, #tpu.memory_space<semaphore_mem>>)
        %mul3A_217 = arith.constant 4 : i32
        %mul3A_218 = arith.muli %add3A_180, %mul3A_217 : i32
        %add3A_219 = arith.constant 2 : i32
        %add3A_220 = arith.addi %mul3A_218, %add3A_219 : i32
        %dma_start3A_221 = arith.constant 1 : i32
        %dma_start3A_222 = arith.constant 0 : i32
        %dma_start3A_223 = arith.constant 0 : i32
        %dma_start3A_224 = tpu.memref_slice %arg6[%dma_start3A_221, %dma_start3A_222, %dma_start3A_223] : memref<2x512x32xf32, #tpu.memory_space<vmem>> -> memref<1x512x32xf32, #tpu.memory_space<vmem>>
        %dma_start3A_225 = tpu.memref_squeeze %dma_start3A_224 : memref<1x512x32xf32, #tpu.memory_space<vmem>> -> memref<512x32xf32, #tpu.memory_space<vmem>>
        %dma_start3A_226 = arith.constant 256 : i32
        %dma_start3A_227 = arith.constant 0 : i32
        %dma_start3A_228 = tpu.memref_slice %dma_start3A_225[%dma_start3A_226, %dma_start3A_227] : memref<512x32xf32, #tpu.memory_space<vmem>> -> memref<128x32xf32, #tpu.memory_space<vmem>>
        %dma_start3A_229 = arith.constant 0 : i32
        %dma_start3A_230 = tpu.memref_slice %arg5[%add3A_220, %dma_start3A_229] : memref<200x128xi32, #tpu.memory_space<vmem>> -> memref<1x128xi32, #tpu.memory_space<vmem>>
        %dma_start3A_231 = tpu.memref_squeeze %dma_start3A_230 : memref<1x128xi32, #tpu.memory_space<vmem>> -> memref<128xi32, #tpu.memory_space<vmem>>
        %dma_start3A_232 = arith.constant 0 : i32
        %dma_start3A_233 = arith.constant 0 : i32
        %dma_start3A_234 = tpu.memref_slice %arg2[%dma_start3A_232, %dma_start3A_233] : memref<100000x32xf32, #tpu.memory_space<hbm>> -> memref<100000x32xf32, #tpu.memory_space<hbm>>
        tpu.enqueue_indirect_dma source(%dma_start3A_234 : memref<100000x32xf32, #tpu.memory_space<hbm>>) target(%dma_start3A_228 : memref<128x32xf32, #tpu.memory_space<vmem>>) offsets(%dma_start3A_231 : memref<128xi32, #tpu.memory_space<vmem>>) semaphore(%arg8 : memref<!tpu.dma_semaphore, #tpu.memory_space<semaphore_mem>>)
        %mul3A_235 = arith.constant 4 : i32
        %mul3A_236 = arith.muli %add3A_180, %mul3A_235 : i32
        %add3A_237 = arith.constant 3 : i32
        %add3A_238 = arith.addi %mul3A_236, %add3A_237 : i32
        %dma_start3A_239 = arith.constant 1 : i32
        %dma_start3A_240 = arith.constant 0 : i32
        %dma_start3A_241 = arith.constant 0 : i32
        %dma_start3A_242 = tpu.memref_slice %arg6[%dma_start3A_239, %dma_start3A_240, %dma_start3A_241] : memref<2x512x32xf32, #tpu.memory_space<vmem>> -> memref<1x512x32xf32, #tpu.memory_space<vmem>>
        %dma_start3A_243 = tpu.memref_squeeze %dma_start3A_242 : memref<1x512x32xf32, #tpu.memory_space<vmem>> -> memref<512x32xf32, #tpu.memory_space<vmem>>
        %dma_start3A_244 = arith.constant 384 : i32
        %dma_start3A_245 = arith.constant 0 : i32
        %dma_start3A_246 = tpu.memref_slice %dma_start3A_243[%dma_start3A_244, %dma_start3A_245] : memref<512x32xf32, #tpu.memory_space<vmem>> -> memref<128x32xf32, #tpu.memory_space<vmem>>
        %dma_start3A_247 = arith.constant 0 : i32
        %dma_start3A_248 = tpu.memref_slice %arg5[%add3A_238, %dma_start3A_247] : memref<200x128xi32, #tpu.memory_space<vmem>> -> memref<1x128xi32, #tpu.memory_space<vmem>>
        %dma_start3A_249 = tpu.memref_squeeze %dma_start3A_248 : memref<1x128xi32, #tpu.memory_space<vmem>> -> memref<128xi32, #tpu.memory_space<vmem>>
        %dma_start3A_250 = arith.constant 0 : i32
        %dma_start3A_251 = arith.constant 0 : i32
        %dma_start3A_252 = tpu.memref_slice %arg2[%dma_start3A_250, %dma_start3A_251] : memref<100000x32xf32, #tpu.memory_space<hbm>> -> memref<100000x32xf32, #tpu.memory_space<hbm>>
        tpu.enqueue_indirect_dma source(%dma_start3A_252 : memref<100000x32xf32, #tpu.memory_space<hbm>>) target(%dma_start3A_246 : memref<128x32xf32, #tpu.memory_space<vmem>>) offsets(%dma_start3A_249 : memref<128xi32, #tpu.memory_space<vmem>>) semaphore(%arg8 : memref<!tpu.dma_semaphore, #tpu.memory_space<semaphore_mem>>)
      } else {
      }
      %dma_wait3A_106 = arith.constant 0 : i32
      %dma_wait3A_107 = arith.constant 0 : i32
      %dma_wait3A_108 = arith.constant 0 : i32
      %dma_wait3A_109 = tpu.memref_slice %arg6[%dma_wait3A_106, %dma_wait3A_107, %dma_wait3A_108] : memref<2x512x32xf32, #tpu.memory_space<vmem>> -> memref<1x512x32xf32, #tpu.memory_space<vmem>>
      %dma_wait3A_110 = tpu.memref_squeeze %dma_wait3A_109 : memref<1x512x32xf32, #tpu.memory_space<vmem>> -> memref<512x32xf32, #tpu.memory_space<vmem>>
      %dma_wait3A_111 = arith.constant 0 : i32
      %dma_wait3A_112 = tpu.memref_slice %arg4[%mul3A_4, %dma_wait3A_111] : memref<819200x32xf32, #tpu.memory_space<hbm>> -> memref<512x32xf32, #tpu.memory_space<hbm>>
      %dma_wait3A_113 = arith.constant 0 : i32
      %dma_wait3A_114 = arith.constant 0 : i32
      %dma_wait3A_115 = tpu.memref_slice %arg6[%dma_wait3A_106, %dma_wait3A_113, %dma_wait3A_114] : memref<2x512x32xf32, #tpu.memory_space<vmem>> -> memref<1x512x32xf32, #tpu.memory_space<vmem>>
      %dma_wait3A_116 = tpu.memref_squeeze %dma_wait3A_115 : memref<1x512x32xf32, #tpu.memory_space<vmem>> -> memref<512x32xf32, #tpu.memory_space<vmem>>
      %dma_wait3A_117 = arith.constant 0 : i32
      %dma_wait3A_118 = tpu.memref_slice %arg4[%mul3A_4, %dma_wait3A_117] : memref<819200x32xf32, #tpu.memory_space<hbm>> -> memref<512x32xf32, #tpu.memory_space<hbm>>
      tpu.wait_dma2 semaphore(%arg7 : memref<!tpu.dma_semaphore, #tpu.memory_space<semaphore_mem>>) src(%dma_wait3A_118 : memref<512x32xf32, #tpu.memory_space<hbm>>) dst(%dma_wait3A_116 : memref<512x32xf32, #tpu.memory_space<vmem>>)
      %mul3A_119 = arith.constant 512 : i32
      %mul3A_120 = arith.muli %add3A_101, %mul3A_119 : i32
      %add3A_121 = arith.addi %mul3A_4, %mul3A_120 : i32
      %dma_start3A_122 = arith.constant 0 : i32
      %dma_start3A_123 = arith.constant 0 : i32
      %dma_start3A_124 = arith.constant 0 : i32
      %dma_start3A_125 = tpu.memref_slice %arg6[%dma_start3A_122, %dma_start3A_123, %dma_start3A_124] : memref<2x512x32xf32, #tpu.memory_space<vmem>> -> memref<1x512x32xf32, #tpu.memory_space<vmem>>
      %dma_start3A_126 = tpu.memref_squeeze %dma_start3A_125 : memref<1x512x32xf32, #tpu.memory_space<vmem>> -> memref<512x32xf32, #tpu.memory_space<vmem>>
      %dma_start3A_127 = arith.constant 0 : i32
      %dma_start3A_128 = tpu.memref_slice %arg4[%add3A_121, %dma_start3A_127] : memref<819200x32xf32, #tpu.memory_space<hbm>> -> memref<512x32xf32, #tpu.memory_space<hbm>>
      %dma_start3A_129 = arith.constant 0 : i32
      %dma_start3A_130 = tpu.memref_slice %arg4[%add3A_121, %dma_start3A_129] : memref<819200x32xf32, #tpu.memory_space<hbm>> -> memref<512x32xf32, #tpu.memory_space<hbm>>
      %dma_start3A_131 = arith.constant 0 : i32
      %dma_start3A_132 = arith.constant 0 : i32
      %dma_start3A_133 = tpu.memref_slice %arg6[%dma_start3A_122, %dma_start3A_131, %dma_start3A_132] : memref<2x512x32xf32, #tpu.memory_space<vmem>> -> memref<1x512x32xf32, #tpu.memory_space<vmem>>
      %dma_start3A_134 = tpu.memref_squeeze %dma_start3A_133 : memref<1x512x32xf32, #tpu.memory_space<vmem>> -> memref<512x32xf32, #tpu.memory_space<vmem>>
      tpu.enqueue_dma source(%dma_start3A_134 : memref<512x32xf32, #tpu.memory_space<vmem>>) target(%dma_start3A_130 : memref<512x32xf32, #tpu.memory_space<hbm>>) target_semaphore(%arg9 : memref<!tpu.dma_semaphore, #tpu.memory_space<semaphore_mem>>)
      %mul3A_135 = arith.constant 2 : i32
      %mul3A_136 = arith.muli %mul3A_135, %add3A_97 : i32
      %add3A_137 = arith.constant 1 : i32
      %add3A_138 = arith.addi %mul3A_136, %add3A_137 : i32
      %add3A_139 = arith.constant 1 : i32
      %add3A_140 = arith.addi %add3A_138, %add3A_139 : i32
      %lt3A_141 = arith.constant 50 : i32
      %lt3A_142 = arith.cmpi slt, %add3A_140, %lt3A_141 : i32
      %convert_element_type3A_143 = arith.extui %lt3A_142 : i1 to i32
      %cond3A_144 = arith.constant 0 : i32
      %cond3A_145 = arith.cmpi ne, %convert_element_type3A_143, %cond3A_144 : i32
      scf.if %cond3A_145 {
        %ge3A = arith.constant 1 : i32
        %ge3A_175 = arith.cmpi sge, %add3A_138, %ge3A : i32
        %convert_element_type3A_176 = arith.extui %ge3A_175 : i1 to i32
        %cond3A_177 = arith.constant 0 : i32
        %cond3A_178 = arith.cmpi ne, %convert_element_type3A_176, %cond3A_177 : i32
        scf.if %cond3A_178 {
          %dma_wait3A_253 = arith.constant 0 : i32
          %dma_wait3A_254 = arith.constant 0 : i32
          %dma_wait3A_255 = arith.constant 0 : i32
          %dma_wait3A_256 = tpu.memref_slice %arg6[%dma_wait3A_253, %dma_wait3A_254, %dma_wait3A_255] : memref<2x512x32xf32, #tpu.memory_space<vmem>> -> memref<1x512x32xf32, #tpu.memory_space<vmem>>
          %dma_wait3A_257 = tpu.memref_squeeze %dma_wait3A_256 : memref<1x512x32xf32, #tpu.memory_space<vmem>> -> memref<512x32xf32, #tpu.memory_space<vmem>>
          %dma_wait3A_258 = arith.constant 0 : i32
          %dma_wait3A_259 = tpu.memref_slice %arg4[%mul3A_4, %dma_wait3A_258] : memref<819200x32xf32, #tpu.memory_space<hbm>> -> memref<512x32xf32, #tpu.memory_space<hbm>>
          %dma_wait3A_260 = arith.constant 0 : i32
          %dma_wait3A_261 = arith.constant 0 : i32
          %dma_wait3A_262 = tpu.memref_slice %arg6[%dma_wait3A_253, %dma_wait3A_260, %dma_wait3A_261] : memref<2x512x32xf32, #tpu.memory_space<vmem>> -> memref<1x512x32xf32, #tpu.memory_space<vmem>>
          %dma_wait3A_263 = tpu.memref_squeeze %dma_wait3A_262 : memref<1x512x32xf32, #tpu.memory_space<vmem>> -> memref<512x32xf32, #tpu.memory_space<vmem>>
          %dma_wait3A_264 = arith.constant 0 : i32
          %dma_wait3A_265 = tpu.memref_slice %arg4[%mul3A_4, %dma_wait3A_264] : memref<819200x32xf32, #tpu.memory_space<hbm>> -> memref<512x32xf32, #tpu.memory_space<hbm>>
          tpu.wait_dma2 semaphore(%arg9 : memref<!tpu.dma_semaphore, #tpu.memory_space<semaphore_mem>>) src(%dma_wait3A_265 : memref<512x32xf32, #tpu.memory_space<hbm>>) dst(%dma_wait3A_263 : memref<512x32xf32, #tpu.memory_space<vmem>>)
        } else {
        }
        %add3A_179 = arith.constant 1 : i32
        %add3A_180 = arith.addi %add3A_138, %add3A_179 : i32
        %mul3A_181 = arith.constant 4 : i32
        %mul3A_182 = arith.muli %add3A_180, %mul3A_181 : i32
        %add3A_183 = arith.constant 0 : i32
        %add3A_184 = arith.addi %mul3A_182, %add3A_183 : i32
        %dma_start3A_185 = arith.constant 0 : i32
        %dma_start3A_186 = arith.constant 0 : i32
        %dma_start3A_187 = arith.constant 0 : i32
        %dma_start3A_188 = tpu.memref_slice %arg6[%dma_start3A_185, %dma_start3A_186, %dma_start3A_187] : memref<2x512x32xf32, #tpu.memory_space<vmem>> -> memref<1x512x32xf32, #tpu.memory_space<vmem>>
        %dma_start3A_189 = tpu.memref_squeeze %dma_start3A_188 : memref<1x512x32xf32, #tpu.memory_space<vmem>> -> memref<512x32xf32, #tpu.memory_space<vmem>>
        %dma_start3A_190 = arith.constant 0 : i32
        %dma_start3A_191 = arith.constant 0 : i32
        %dma_start3A_192 = tpu.memref_slice %dma_start3A_189[%dma_start3A_190, %dma_start3A_191] : memref<512x32xf32, #tpu.memory_space<vmem>> -> memref<128x32xf32, #tpu.memory_space<vmem>>
        %dma_start3A_193 = arith.constant 0 : i32
        %dma_start3A_194 = tpu.memref_slice %arg5[%add3A_184, %dma_start3A_193] : memref<200x128xi32, #tpu.memory_space<vmem>> -> memref<1x128xi32, #tpu.memory_space<vmem>>
        %dma_start3A_195 = tpu.memref_squeeze %dma_start3A_194 : memref<1x128xi32, #tpu.memory_space<vmem>> -> memref<128xi32, #tpu.memory_space<vmem>>
        %dma_start3A_196 = arith.constant 0 : i32
        %dma_start3A_197 = arith.constant 0 : i32
        %dma_start3A_198 = tpu.memref_slice %arg2[%dma_start3A_196, %dma_start3A_197] : memref<100000x32xf32, #tpu.memory_space<hbm>> -> memref<100000x32xf32, #tpu.memory_space<hbm>>
        tpu.enqueue_indirect_dma source(%dma_start3A_198 : memref<100000x32xf32, #tpu.memory_space<hbm>>) target(%dma_start3A_192 : memref<128x32xf32, #tpu.memory_space<vmem>>) offsets(%dma_start3A_195 : memref<128xi32, #tpu.memory_space<vmem>>) semaphore(%arg7 : memref<!tpu.dma_semaphore, #tpu.memory_space<semaphore_mem>>)
        %mul3A_199 = arith.constant 4 : i32
        %mul3A_200 = arith.muli %add3A_180, %mul3A_199 : i32
        %add3A_201 = arith.constant 1 : i32
        %add3A_202 = arith.addi %mul3A_200, %add3A_201 : i32
        %dma_start3A_203 = arith.constant 0 : i32
        %dma_start3A_204 = arith.constant 0 : i32
        %dma_start3A_205 = arith.constant 0 : i32
        %dma_start3A_206 = tpu.memref_slice %arg6[%dma_start3A_203, %dma_start3A_204, %dma_start3A_205] : memref<2x512x32xf32, #tpu.memory_space<vmem>> -> memref<1x512x32xf32, #tpu.memory_space<vmem>>
        %dma_start3A_207 = tpu.memref_squeeze %dma_start3A_206 : memref<1x512x32xf32, #tpu.memory_space<vmem>> -> memref<512x32xf32, #tpu.memory_space<vmem>>
        %dma_start3A_208 = arith.constant 128 : i32
        %dma_start3A_209 = arith.constant 0 : i32
        %dma_start3A_210 = tpu.memref_slice %dma_start3A_207[%dma_start3A_208, %dma_start3A_209] : memref<512x32xf32, #tpu.memory_space<vmem>> -> memref<128x32xf32, #tpu.memory_space<vmem>>
        %dma_start3A_211 = arith.constant 0 : i32
        %dma_start3A_212 = tpu.memref_slice %arg5[%add3A_202, %dma_start3A_211] : memref<200x128xi32, #tpu.memory_space<vmem>> -> memref<1x128xi32, #tpu.memory_space<vmem>>
        %dma_start3A_213 = tpu.memref_squeeze %dma_start3A_212 : memref<1x128xi32, #tpu.memory_space<vmem>> -> memref<128xi32, #tpu.memory_space<vmem>>
        %dma_start3A_214 = arith.constant 0 : i32
        %dma_start3A_215 = arith.constant 0 : i32
        %dma_start3A_216 = tpu.memref_slice %arg2[%dma_start3A_214, %dma_start3A_215] : memref<100000x32xf32, #tpu.memory_space<hbm>> -> memref<100000x32xf32, #tpu.memory_space<hbm>>
        tpu.enqueue_indirect_dma source(%dma_start3A_216 : memref<100000x32xf32, #tpu.memory_space<hbm>>) target(%dma_start3A_210 : memref<128x32xf32, #tpu.memory_space<vmem>>) offsets(%dma_start3A_213 : memref<128xi32, #tpu.memory_space<vmem>>) semaphore(%arg7 : memref<!tpu.dma_semaphore, #tpu.memory_space<semaphore_mem>>)
        %mul3A_217 = arith.constant 4 : i32
        %mul3A_218 = arith.muli %add3A_180, %mul3A_217 : i32
        %add3A_219 = arith.constant 2 : i32
        %add3A_220 = arith.addi %mul3A_218, %add3A_219 : i32
        %dma_start3A_221 = arith.constant 0 : i32
        %dma_start3A_222 = arith.constant 0 : i32
        %dma_start3A_223 = arith.constant 0 : i32
        %dma_start3A_224 = tpu.memref_slice %arg6[%dma_start3A_221, %dma_start3A_222, %dma_start3A_223] : memref<2x512x32xf32, #tpu.memory_space<vmem>> -> memref<1x512x32xf32, #tpu.memory_space<vmem>>
        %dma_start3A_225 = tpu.memref_squeeze %dma_start3A_224 : memref<1x512x32xf32, #tpu.memory_space<vmem>> -> memref<512x32xf32, #tpu.memory_space<vmem>>
        %dma_start3A_226 = arith.constant 256 : i32
        %dma_start3A_227 = arith.constant 0 : i32
        %dma_start3A_228 = tpu.memref_slice %dma_start3A_225[%dma_start3A_226, %dma_start3A_227] : memref<512x32xf32, #tpu.memory_space<vmem>> -> memref<128x32xf32, #tpu.memory_space<vmem>>
        %dma_start3A_229 = arith.constant 0 : i32
        %dma_start3A_230 = tpu.memref_slice %arg5[%add3A_220, %dma_start3A_229] : memref<200x128xi32, #tpu.memory_space<vmem>> -> memref<1x128xi32, #tpu.memory_space<vmem>>
        %dma_start3A_231 = tpu.memref_squeeze %dma_start3A_230 : memref<1x128xi32, #tpu.memory_space<vmem>> -> memref<128xi32, #tpu.memory_space<vmem>>
        %dma_start3A_232 = arith.constant 0 : i32
        %dma_start3A_233 = arith.constant 0 : i32
        %dma_start3A_234 = tpu.memref_slice %arg2[%dma_start3A_232, %dma_start3A_233] : memref<100000x32xf32, #tpu.memory_space<hbm>> -> memref<100000x32xf32, #tpu.memory_space<hbm>>
        tpu.enqueue_indirect_dma source(%dma_start3A_234 : memref<100000x32xf32, #tpu.memory_space<hbm>>) target(%dma_start3A_228 : memref<128x32xf32, #tpu.memory_space<vmem>>) offsets(%dma_start3A_231 : memref<128xi32, #tpu.memory_space<vmem>>) semaphore(%arg7 : memref<!tpu.dma_semaphore, #tpu.memory_space<semaphore_mem>>)
        %mul3A_235 = arith.constant 4 : i32
        %mul3A_236 = arith.muli %add3A_180, %mul3A_235 : i32
        %add3A_237 = arith.constant 3 : i32
        %add3A_238 = arith.addi %mul3A_236, %add3A_237 : i32
        %dma_start3A_239 = arith.constant 0 : i32
        %dma_start3A_240 = arith.constant 0 : i32
        %dma_start3A_241 = arith.constant 0 : i32
        %dma_start3A_242 = tpu.memref_slice %arg6[%dma_start3A_239, %dma_start3A_240, %dma_start3A_241] : memref<2x512x32xf32, #tpu.memory_space<vmem>> -> memref<1x512x32xf32, #tpu.memory_space<vmem>>
        %dma_start3A_243 = tpu.memref_squeeze %dma_start3A_242 : memref<1x512x32xf32, #tpu.memory_space<vmem>> -> memref<512x32xf32, #tpu.memory_space<vmem>>
        %dma_start3A_244 = arith.constant 384 : i32
        %dma_start3A_245 = arith.constant 0 : i32
        %dma_start3A_246 = tpu.memref_slice %dma_start3A_243[%dma_start3A_244, %dma_start3A_245] : memref<512x32xf32, #tpu.memory_space<vmem>> -> memref<128x32xf32, #tpu.memory_space<vmem>>
        %dma_start3A_247 = arith.constant 0 : i32
        %dma_start3A_248 = tpu.memref_slice %arg5[%add3A_238, %dma_start3A_247] : memref<200x128xi32, #tpu.memory_space<vmem>> -> memref<1x128xi32, #tpu.memory_space<vmem>>
        %dma_start3A_249 = tpu.memref_squeeze %dma_start3A_248 : memref<1x128xi32, #tpu.memory_space<vmem>> -> memref<128xi32, #tpu.memory_space<vmem>>
        %dma_start3A_250 = arith.constant 0 : i32
        %dma_start3A_251 = arith.constant 0 : i32
        %dma_start3A_252 = tpu.memref_slice %arg2[%dma_start3A_250, %dma_start3A_251] : memref<100000x32xf32, #tpu.memory_space<hbm>> -> memref<100000x32xf32, #tpu.memory_space<hbm>>
        tpu.enqueue_indirect_dma source(%dma_start3A_252 : memref<100000x32xf32, #tpu.memory_space<hbm>>) target(%dma_start3A_246 : memref<128x32xf32, #tpu.memory_space<vmem>>) offsets(%dma_start3A_249 : memref<128xi32, #tpu.memory_space<vmem>>) semaphore(%arg7 : memref<!tpu.dma_semaphore, #tpu.memory_space<semaphore_mem>>)
      } else {
      }
      %dma_wait3A_146 = arith.constant 1 : i32
      %dma_wait3A_147 = arith.constant 0 : i32
      %dma_wait3A_148 = arith.constant 0 : i32
      %dma_wait3A_149 = tpu.memref_slice %arg6[%dma_wait3A_146, %dma_wait3A_147, %dma_wait3A_148] : memref<2x512x32xf32, #tpu.memory_space<vmem>> -> memref<1x512x32xf32, #tpu.memory_space<vmem>>
      %dma_wait3A_150 = tpu.memref_squeeze %dma_wait3A_149 : memref<1x512x32xf32, #tpu.memory_space<vmem>> -> memref<512x32xf32, #tpu.memory_space<vmem>>
      %dma_wait3A_151 = arith.constant 0 : i32
      %dma_wait3A_152 = tpu.memref_slice %arg4[%mul3A_4, %dma_wait3A_151] : memref<819200x32xf32, #tpu.memory_space<hbm>> -> memref<512x32xf32, #tpu.memory_space<hbm>>
      %dma_wait3A_153 = arith.constant 0 : i32
      %dma_wait3A_154 = arith.constant 0 : i32
      %dma_wait3A_155 = tpu.memref_slice %arg6[%dma_wait3A_146, %dma_wait3A_153, %dma_wait3A_154] : memref<2x512x32xf32, #tpu.memory_space<vmem>> -> memref<1x512x32xf32, #tpu.memory_space<vmem>>
      %dma_wait3A_156 = tpu.memref_squeeze %dma_wait3A_155 : memref<1x512x32xf32, #tpu.memory_space<vmem>> -> memref<512x32xf32, #tpu.memory_space<vmem>>
      %dma_wait3A_157 = arith.constant 0 : i32
      %dma_wait3A_158 = tpu.memref_slice %arg4[%mul3A_4, %dma_wait3A_157] : memref<819200x32xf32, #tpu.memory_space<hbm>> -> memref<512x32xf32, #tpu.memory_space<hbm>>
      tpu.wait_dma2 semaphore(%arg8 : memref<!tpu.dma_semaphore, #tpu.memory_space<semaphore_mem>>) src(%dma_wait3A_158 : memref<512x32xf32, #tpu.memory_space<hbm>>) dst(%dma_wait3A_156 : memref<512x32xf32, #tpu.memory_space<vmem>>)
      %mul3A_159 = arith.constant 512 : i32
      %mul3A_160 = arith.muli %add3A_138, %mul3A_159 : i32
      %add3A_161 = arith.addi %mul3A_4, %mul3A_160 : i32
      %dma_start3A_162 = arith.constant 1 : i32
      %dma_start3A_163 = arith.constant 0 : i32
      %dma_start3A_164 = arith.constant 0 : i32
      %dma_start3A_165 = tpu.memref_slice %arg6[%dma_start3A_162, %dma_start3A_163, %dma_start3A_164] : memref<2x512x32xf32, #tpu.memory_space<vmem>> -> memref<1x512x32xf32, #tpu.memory_space<vmem>>
      %dma_start3A_166 = tpu.memref_squeeze %dma_start3A_165 : memref<1x512x32xf32, #tpu.memory_space<vmem>> -> memref<512x32xf32, #tpu.memory_space<vmem>>
      %dma_start3A_167 = arith.constant 0 : i32
      %dma_start3A_168 = tpu.memref_slice %arg4[%add3A_161, %dma_start3A_167] : memref<819200x32xf32, #tpu.memory_space<hbm>> -> memref<512x32xf32, #tpu.memory_space<hbm>>
      %dma_start3A_169 = arith.constant 0 : i32
      %dma_start3A_170 = tpu.memref_slice %arg4[%add3A_161, %dma_start3A_169] : memref<819200x32xf32, #tpu.memory_space<hbm>> -> memref<512x32xf32, #tpu.memory_space<hbm>>
      %dma_start3A_171 = arith.constant 0 : i32
      %dma_start3A_172 = arith.constant 0 : i32
      %dma_start3A_173 = tpu.memref_slice %arg6[%dma_start3A_162, %dma_start3A_171, %dma_start3A_172] : memref<2x512x32xf32, #tpu.memory_space<vmem>> -> memref<1x512x32xf32, #tpu.memory_space<vmem>>
      %dma_start3A_174 = tpu.memref_squeeze %dma_start3A_173 : memref<1x512x32xf32, #tpu.memory_space<vmem>> -> memref<512x32xf32, #tpu.memory_space<vmem>>
      tpu.enqueue_dma source(%dma_start3A_174 : memref<512x32xf32, #tpu.memory_space<vmem>>) target(%dma_start3A_170 : memref<512x32xf32, #tpu.memory_space<hbm>>) target_semaphore(%arg10 : memref<!tpu.dma_semaphore, #tpu.memory_space<semaphore_mem>>)
    }
    %scan3A_67 = arith.constant 25 : i32
    %dma_wait3A = arith.constant 0 : i32
    %dma_wait3A_68 = arith.constant 0 : i32
    %dma_wait3A_69 = arith.constant 0 : i32
    %dma_wait3A_70 = tpu.memref_slice %arg6[%dma_wait3A, %dma_wait3A_68, %dma_wait3A_69] : memref<2x512x32xf32, #tpu.memory_space<vmem>> -> memref<1x512x32xf32, #tpu.memory_space<vmem>>
    %dma_wait3A_71 = tpu.memref_squeeze %dma_wait3A_70 : memref<1x512x32xf32, #tpu.memory_space<vmem>> -> memref<512x32xf32, #tpu.memory_space<vmem>>
    %dma_wait3A_72 = arith.constant 0 : i32
    %dma_wait3A_73 = tpu.memref_slice %arg4[%mul3A_4, %dma_wait3A_72] : memref<819200x32xf32, #tpu.memory_space<hbm>> -> memref<512x32xf32, #tpu.memory_space<hbm>>
    %dma_wait3A_74 = arith.constant 0 : i32
    %dma_wait3A_75 = arith.constant 0 : i32
    %dma_wait3A_76 = tpu.memref_slice %arg6[%dma_wait3A, %dma_wait3A_74, %dma_wait3A_75] : memref<2x512x32xf32, #tpu.memory_space<vmem>> -> memref<1x512x32xf32, #tpu.memory_space<vmem>>
    %dma_wait3A_77 = tpu.memref_squeeze %dma_wait3A_76 : memref<1x512x32xf32, #tpu.memory_space<vmem>> -> memref<512x32xf32, #tpu.memory_space<vmem>>
    %dma_wait3A_78 = arith.constant 0 : i32
    %dma_wait3A_79 = tpu.memref_slice %arg4[%mul3A_4, %dma_wait3A_78] : memref<819200x32xf32, #tpu.memory_space<hbm>> -> memref<512x32xf32, #tpu.memory_space<hbm>>
    tpu.wait_dma2 semaphore(%arg9 : memref<!tpu.dma_semaphore, #tpu.memory_space<semaphore_mem>>) src(%dma_wait3A_79 : memref<512x32xf32, #tpu.memory_space<hbm>>) dst(%dma_wait3A_77 : memref<512x32xf32, #tpu.memory_space<vmem>>)
    %dma_wait3A_80 = arith.constant 1 : i32
    %dma_wait3A_81 = arith.constant 0 : i32
    %dma_wait3A_82 = arith.constant 0 : i32
    %dma_wait3A_83 = tpu.memref_slice %arg6[%dma_wait3A_80, %dma_wait3A_81, %dma_wait3A_82] : memref<2x512x32xf32, #tpu.memory_space<vmem>> -> memref<1x512x32xf32, #tpu.memory_space<vmem>>
    %dma_wait3A_84 = tpu.memref_squeeze %dma_wait3A_83 : memref<1x512x32xf32, #tpu.memory_space<vmem>> -> memref<512x32xf32, #tpu.memory_space<vmem>>
    %dma_wait3A_85 = arith.constant 0 : i32
    %dma_wait3A_86 = tpu.memref_slice %arg4[%mul3A_4, %dma_wait3A_85] : memref<819200x32xf32, #tpu.memory_space<hbm>> -> memref<512x32xf32, #tpu.memory_space<hbm>>
    %dma_wait3A_87 = arith.constant 0 : i32
    %dma_wait3A_88 = arith.constant 0 : i32
    %dma_wait3A_89 = tpu.memref_slice %arg6[%dma_wait3A_80, %dma_wait3A_87, %dma_wait3A_88] : memref<2x512x32xf32, #tpu.memory_space<vmem>> -> memref<1x512x32xf32, #tpu.memory_space<vmem>>
    %dma_wait3A_90 = tpu.memref_squeeze %dma_wait3A_89 : memref<1x512x32xf32, #tpu.memory_space<vmem>> -> memref<512x32xf32, #tpu.memory_space<vmem>>
    %dma_wait3A_91 = arith.constant 0 : i32
    %dma_wait3A_92 = tpu.memref_slice %arg4[%mul3A_4, %dma_wait3A_91] : memref<819200x32xf32, #tpu.memory_space<hbm>> -> memref<512x32xf32, #tpu.memory_space<hbm>>
    tpu.wait_dma2 semaphore(%arg10 : memref<!tpu.dma_semaphore, #tpu.memory_space<semaphore_mem>>) src(%dma_wait3A_92 : memref<512x32xf32, #tpu.memory_space<hbm>>) dst(%dma_wait3A_90 : memref<512x32xf32, #tpu.memory_space<vmem>>)
    return
  }
}

module attributes {stable_mosaic.version = 14 : i64} {
  func.func @_table_body(%arg0: i32, %arg1: memref<1000x64xf32, #tpu.memory_space<vmem>>, %arg2: memref<1000x64xf32, #tpu.memory_space<vmem>>, %arg3: memref<1000x64xf32, #tpu.memory_space<vmem>>, %arg4: memref<1000x64xf32, #tpu.memory_space<vmem>>, %arg5: memref<64x32xf32, #tpu.memory_space<vmem>>, %arg6: memref<1x32xf32, #tpu.memory_space<vmem>>, %arg7: memref<1000x128xf32, #tpu.memory_space<vmem>>) attributes {dimension_semantics = [#tpu.dimension_semantics<arbitrary>], iteration_bounds = array<i64: 25>, scalar_prefetch = 0 : i64, scratch_operands = 0 : i64, tpu.core_type = #tpu.core_type<tc>, window_params = [{transform_indices = @transform_0, window_bounds = array<i64: 1000, 64>}, {transform_indices = @transform_1, window_bounds = array<i64: 1000, 64>}, {transform_indices = @transform_2, window_bounds = array<i64: 1000, 64>}, {transform_indices = @transform_3, window_bounds = array<i64: 1000, 64>}, {pipeline_mode = #tpu.pipeline_mode<synchronous>, transform_indices = @transform_4, window_bounds = array<i64: 64, 32>}, {pipeline_mode = #tpu.pipeline_mode<synchronous>, transform_indices = @transform_5, window_bounds = array<i64: 1, 32>}, {transform_indices = @transform_6, window_bounds = array<i64: 1000, 128>}]} {
    %get3A = arith.constant 0 : index
    %get3A_0 = arith.constant 0 : index
    %get3A_1 = vector.load %arg1[%get3A, %get3A_0] : memref<1000x64xf32, #tpu.memory_space<vmem>>, vector<1000x64xf32>
    %get3A_2 = arith.constant 0 : index
    %get3A_3 = arith.constant 0 : index
    %get3A_4 = vector.load %arg5[%get3A_2, %get3A_3] : memref<64x32xf32, #tpu.memory_space<vmem>>, vector<64x32xf32>
    %dot_general3A = arith.constant dense<0.000000e+00> : vector<1000x32xf32>
    %dot_general3A_5 = tpu.matmul %get3A_1, %get3A_4, %dot_general3A {dimension_numbers = #tpu.dot_dimension_numbers<[1], [0], [0], [1], [0, 0, 1, 1], [], []>, transpose_lhs_hint = false} : vector<1000x64xf32>, vector<64x32xf32>, vector<1000x32xf32> -> vector<1000x32xf32>
    %get3A_6 = arith.constant 0 : index
    %get3A_7 = arith.constant 0 : index
    %get3A_8 = vector.load %arg6[%get3A_6, %get3A_7] : memref<1x32xf32, #tpu.memory_space<vmem>>, vector<1x32xf32>
    %add3A = vector.broadcast %get3A_8 : vector<1x32xf32> to vector<1000x32xf32>
    %add3A_9 = arith.addf %dot_general3A_5, %add3A : vector<1000x32xf32>
    %logistic3A = arith.negf %add3A_9 : vector<1000x32xf32>
    %logistic3A_10 = math.exp %logistic3A : vector<1000x32xf32>
    %logistic3A_11 = arith.constant 1.000000e+00 : f32
    %logistic3A_12 = vector.broadcast %logistic3A_11 : f32 to vector<1000x32xf32>
    %logistic3A_13 = arith.addf %logistic3A_12, %logistic3A_10 : vector<1000x32xf32>
    %logistic3A_14 = arith.divf %logistic3A_12, %logistic3A_13 : vector<1000x32xf32>
    %get3A_15 = arith.constant 0 : index
    %get3A_16 = arith.constant 0 : index
    %get3A_17 = vector.load %arg2[%get3A_15, %get3A_16] : memref<1000x64xf32, #tpu.memory_space<vmem>>, vector<1000x64xf32>
    %get3A_18 = arith.constant 0 : index
    %get3A_19 = arith.constant 0 : index
    %get3A_20 = vector.load %arg5[%get3A_18, %get3A_19] : memref<64x32xf32, #tpu.memory_space<vmem>>, vector<64x32xf32>
    %dot_general3A_21 = arith.constant dense<0.000000e+00> : vector<1000x32xf32>
    %dot_general3A_22 = tpu.matmul %get3A_17, %get3A_20, %dot_general3A_21 {dimension_numbers = #tpu.dot_dimension_numbers<[1], [0], [0], [1], [0, 0, 1, 1], [], []>, transpose_lhs_hint = false} : vector<1000x64xf32>, vector<64x32xf32>, vector<1000x32xf32> -> vector<1000x32xf32>
    %get3A_23 = arith.constant 0 : index
    %get3A_24 = arith.constant 0 : index
    %get3A_25 = vector.load %arg6[%get3A_23, %get3A_24] : memref<1x32xf32, #tpu.memory_space<vmem>>, vector<1x32xf32>
    %add3A_26 = vector.broadcast %get3A_25 : vector<1x32xf32> to vector<1000x32xf32>
    %add3A_27 = arith.addf %dot_general3A_22, %add3A_26 : vector<1000x32xf32>
    %logistic3A_28 = arith.negf %add3A_27 : vector<1000x32xf32>
    %logistic3A_29 = math.exp %logistic3A_28 : vector<1000x32xf32>
    %logistic3A_30 = arith.constant 1.000000e+00 : f32
    %logistic3A_31 = vector.broadcast %logistic3A_30 : f32 to vector<1000x32xf32>
    %logistic3A_32 = arith.addf %logistic3A_31, %logistic3A_29 : vector<1000x32xf32>
    %logistic3A_33 = arith.divf %logistic3A_31, %logistic3A_32 : vector<1000x32xf32>
    %get3A_34 = arith.constant 0 : index
    %get3A_35 = arith.constant 0 : index
    %get3A_36 = vector.load %arg3[%get3A_34, %get3A_35] : memref<1000x64xf32, #tpu.memory_space<vmem>>, vector<1000x64xf32>
    %get3A_37 = arith.constant 0 : index
    %get3A_38 = arith.constant 0 : index
    %get3A_39 = vector.load %arg5[%get3A_37, %get3A_38] : memref<64x32xf32, #tpu.memory_space<vmem>>, vector<64x32xf32>
    %dot_general3A_40 = arith.constant dense<0.000000e+00> : vector<1000x32xf32>
    %dot_general3A_41 = tpu.matmul %get3A_36, %get3A_39, %dot_general3A_40 {dimension_numbers = #tpu.dot_dimension_numbers<[1], [0], [0], [1], [0, 0, 1, 1], [], []>, transpose_lhs_hint = false} : vector<1000x64xf32>, vector<64x32xf32>, vector<1000x32xf32> -> vector<1000x32xf32>
    %get3A_42 = arith.constant 0 : index
    %get3A_43 = arith.constant 0 : index
    %get3A_44 = vector.load %arg6[%get3A_42, %get3A_43] : memref<1x32xf32, #tpu.memory_space<vmem>>, vector<1x32xf32>
    %add3A_45 = vector.broadcast %get3A_44 : vector<1x32xf32> to vector<1000x32xf32>
    %add3A_46 = arith.addf %dot_general3A_41, %add3A_45 : vector<1000x32xf32>
    %logistic3A_47 = arith.negf %add3A_46 : vector<1000x32xf32>
    %logistic3A_48 = math.exp %logistic3A_47 : vector<1000x32xf32>
    %logistic3A_49 = arith.constant 1.000000e+00 : f32
    %logistic3A_50 = vector.broadcast %logistic3A_49 : f32 to vector<1000x32xf32>
    %logistic3A_51 = arith.addf %logistic3A_50, %logistic3A_48 : vector<1000x32xf32>
    %logistic3A_52 = arith.divf %logistic3A_50, %logistic3A_51 : vector<1000x32xf32>
    %get3A_53 = arith.constant 0 : index
    %get3A_54 = arith.constant 0 : index
    %get3A_55 = vector.load %arg4[%get3A_53, %get3A_54] : memref<1000x64xf32, #tpu.memory_space<vmem>>, vector<1000x64xf32>
    %get3A_56 = arith.constant 0 : index
    %get3A_57 = arith.constant 0 : index
    %get3A_58 = vector.load %arg5[%get3A_56, %get3A_57] : memref<64x32xf32, #tpu.memory_space<vmem>>, vector<64x32xf32>
    %dot_general3A_59 = arith.constant dense<0.000000e+00> : vector<1000x32xf32>
    %dot_general3A_60 = tpu.matmul %get3A_55, %get3A_58, %dot_general3A_59 {dimension_numbers = #tpu.dot_dimension_numbers<[1], [0], [0], [1], [0, 0, 1, 1], [], []>, transpose_lhs_hint = false} : vector<1000x64xf32>, vector<64x32xf32>, vector<1000x32xf32> -> vector<1000x32xf32>
    %get3A_61 = arith.constant 0 : index
    %get3A_62 = arith.constant 0 : index
    %get3A_63 = vector.load %arg6[%get3A_61, %get3A_62] : memref<1x32xf32, #tpu.memory_space<vmem>>, vector<1x32xf32>
    %add3A_64 = vector.broadcast %get3A_63 : vector<1x32xf32> to vector<1000x32xf32>
    %add3A_65 = arith.addf %dot_general3A_60, %add3A_64 : vector<1000x32xf32>
    %logistic3A_66 = arith.negf %add3A_65 : vector<1000x32xf32>
    %logistic3A_67 = math.exp %logistic3A_66 : vector<1000x32xf32>
    %logistic3A_68 = arith.constant 1.000000e+00 : f32
    %logistic3A_69 = vector.broadcast %logistic3A_68 : f32 to vector<1000x32xf32>
    %logistic3A_70 = arith.addf %logistic3A_69, %logistic3A_67 : vector<1000x32xf32>
    %logistic3A_71 = arith.divf %logistic3A_69, %logistic3A_70 : vector<1000x32xf32>
    %concatenate3A = tpu.concatenate %logistic3A_14, %logistic3A_33, %logistic3A_52, %logistic3A_71 in 1 : vector<1000x32xf32>, vector<1000x32xf32>, vector<1000x32xf32>, vector<1000x32xf32> -> vector<1000x128xf32>
    %swap3A = arith.constant 0 : index
    %swap3A_72 = arith.constant 0 : index
    %swap3A_73 = vector.load %arg7[%swap3A, %swap3A_72] : memref<1000x128xf32, #tpu.memory_space<vmem>>, vector<1000x128xf32>
    tpu.vector_store %arg7[%swap3A, %swap3A_72], %concatenate3A {strides = array<i32>} : memref<1000x128xf32, #tpu.memory_space<vmem>>, vector<1000x128xf32>,
    return
  }
  func.func @transform_0(%arg0: i32) -> (i32, i32) {
    %add3A = arith.constant 0 : i32
    %add3A_0 = arith.addi %add3A, %arg0 : i32
    %c0_i32 = arith.constant 0 : i32
    %c0_i32_1 = arith.constant 0 : i32
    return %add3A_0, %c0_i32 : i32, i32
  }
  func.func @transform_1(%arg0: i32) -> (i32, i32) {
    %add3A = arith.constant 25 : i32
    %add3A_0 = arith.addi %add3A, %arg0 : i32
    %c0_i32 = arith.constant 0 : i32
    %c0_i32_1 = arith.constant 0 : i32
    return %add3A_0, %c0_i32 : i32, i32
  }
  func.func @transform_2(%arg0: i32) -> (i32, i32) {
    %add3A = arith.constant 50 : i32
    %add3A_0 = arith.addi %add3A, %arg0 : i32
    %c0_i32 = arith.constant 0 : i32
    %c0_i32_1 = arith.constant 0 : i32
    return %add3A_0, %c0_i32 : i32, i32
  }
  func.func @transform_3(%arg0: i32) -> (i32, i32) {
    %add3A = arith.constant 75 : i32
    %add3A_0 = arith.addi %add3A, %arg0 : i32
    %c0_i32 = arith.constant 0 : i32
    %c0_i32_1 = arith.constant 0 : i32
    return %add3A_0, %c0_i32 : i32, i32
  }
  func.func @transform_4(%arg0: i32) -> (i32, i32) {
    %c0_i32 = arith.constant 0 : i32
    %c0_i32_0 = arith.constant 0 : i32
    %c0_i32_1 = arith.constant 0 : i32
    return %c0_i32, %c0_i32_0 : i32, i32
  }
  func.func @transform_5(%arg0: i32) -> (i32, i32) {
    %c0_i32 = arith.constant 0 : i32
    %c0_i32_0 = arith.constant 0 : i32
    %c0_i32_1 = arith.constant 0 : i32
    return %c0_i32, %c0_i32_0 : i32, i32
  }
  func.func @transform_6(%arg0: i32) -> (i32, i32) {
    %c0_i32 = arith.constant 0 : i32
    %c0_i32_0 = arith.constant 0 : i32
    return %arg0, %c0_i32 : i32, i32
  }
}

module attributes {stable_mosaic.version = 14 : i64} {
  func.func @_unpack_body(%arg0: i32, %arg1: memref<50x128x128xf32, #tpu.memory_space<vmem>>, %arg2: memref<4x20x128xf32, #tpu.memory_space<vmem>>, %arg3: memref<512x512xf32, #tpu.memory_space<vmem>>, %arg4: memref<20x50x512xf32, #tpu.memory_space<vmem>>) attributes {dimension_semantics = [#tpu.dimension_semantics<arbitrary>], iteration_bounds = array<i64: 32>, scalar_prefetch = 0 : i64, scratch_operands = 0 : i64, tpu.core_type = #tpu.core_type<tc>, window_params = [{transform_indices = @transform_0, window_bounds = array<i64: 50, 128, 128>}, {pipeline_mode = #tpu.pipeline_mode<synchronous>, transform_indices = @transform_1, window_bounds = array<i64: 4, 20, 128>}, {pipeline_mode = #tpu.pipeline_mode<synchronous>, transform_indices = @transform_2, window_bounds = array<i64: 512, 512>}, {transform_indices = @transform_3, window_bounds = array<i64: 20, 50, 512>}]} {
    %get3A = arith.constant 0 : index
    %get3A_0 = arith.constant 0 : index
    %get3A_1 = arith.constant 0 : index
    %get3A_2 = vector.load %arg2[%get3A, %get3A_0, %get3A_1] : memref<4x20x128xf32, #tpu.memory_space<vmem>>, vector<1x20x128xf32>
    %get3A_3 = vector.shape_cast %get3A_2 : vector<1x20x128xf32> to vector<20x128xf32>
    %get3A_4 = arith.constant 0 : index
    %get3A_5 = arith.constant 0 : index
    %get3A_6 = arith.constant 0 : index
    %get3A_7 = vector.load %arg1[%get3A_4, %get3A_5, %get3A_6] : memref<50x128x128xf32, #tpu.memory_space<vmem>>, vector<50x128x128xf32>
    %dot_general3A = arith.constant dense<0.000000e+00> : vector<20x50x128xf32>
    %dot_general3A_8 = tpu.matmul %get3A_3, %get3A_7, %dot_general3A {dimension_numbers = #tpu.dot_dimension_numbers<[1], [2], [0], [0, 1], [0, 0, 1, 0, 1, 1], [], []>, transpose_lhs_hint = false} : vector<20x128xf32>, vector<50x128x128xf32>, vector<20x50x128xf32> -> vector<20x50x128xf32>
    %get3A_9 = arith.constant 1 : index
    %get3A_10 = arith.constant 0 : index
    %get3A_11 = arith.constant 0 : index
    %get3A_12 = vector.load %arg2[%get3A_9, %get3A_10, %get3A_11] : memref<4x20x128xf32, #tpu.memory_space<vmem>>, vector<1x20x128xf32>
    %get3A_13 = vector.shape_cast %get3A_12 : vector<1x20x128xf32> to vector<20x128xf32>
    %get3A_14 = arith.constant 0 : index
    %get3A_15 = arith.constant 0 : index
    %get3A_16 = arith.constant 0 : index
    %get3A_17 = vector.load %arg1[%get3A_14, %get3A_15, %get3A_16] : memref<50x128x128xf32, #tpu.memory_space<vmem>>, vector<50x128x128xf32>
    %dot_general3A_18 = arith.constant dense<0.000000e+00> : vector<20x50x128xf32>
    %dot_general3A_19 = tpu.matmul %get3A_13, %get3A_17, %dot_general3A_18 {dimension_numbers = #tpu.dot_dimension_numbers<[1], [2], [0], [0, 1], [0, 0, 1, 0, 1, 1], [], []>, transpose_lhs_hint = false} : vector<20x128xf32>, vector<50x128x128xf32>, vector<20x50x128xf32> -> vector<20x50x128xf32>
    %get3A_20 = arith.constant 2 : index
    %get3A_21 = arith.constant 0 : index
    %get3A_22 = arith.constant 0 : index
    %get3A_23 = vector.load %arg2[%get3A_20, %get3A_21, %get3A_22] : memref<4x20x128xf32, #tpu.memory_space<vmem>>, vector<1x20x128xf32>
    %get3A_24 = vector.shape_cast %get3A_23 : vector<1x20x128xf32> to vector<20x128xf32>
    %get3A_25 = arith.constant 0 : index
    %get3A_26 = arith.constant 0 : index
    %get3A_27 = arith.constant 0 : index
    %get3A_28 = vector.load %arg1[%get3A_25, %get3A_26, %get3A_27] : memref<50x128x128xf32, #tpu.memory_space<vmem>>, vector<50x128x128xf32>
    %dot_general3A_29 = arith.constant dense<0.000000e+00> : vector<20x50x128xf32>
    %dot_general3A_30 = tpu.matmul %get3A_24, %get3A_28, %dot_general3A_29 {dimension_numbers = #tpu.dot_dimension_numbers<[1], [2], [0], [0, 1], [0, 0, 1, 0, 1, 1], [], []>, transpose_lhs_hint = false} : vector<20x128xf32>, vector<50x128x128xf32>, vector<20x50x128xf32> -> vector<20x50x128xf32>
    %get3A_31 = arith.constant 3 : index
    %get3A_32 = arith.constant 0 : index
    %get3A_33 = arith.constant 0 : index
    %get3A_34 = vector.load %arg2[%get3A_31, %get3A_32, %get3A_33] : memref<4x20x128xf32, #tpu.memory_space<vmem>>, vector<1x20x128xf32>
    %get3A_35 = vector.shape_cast %get3A_34 : vector<1x20x128xf32> to vector<20x128xf32>
    %get3A_36 = arith.constant 0 : index
    %get3A_37 = arith.constant 0 : index
    %get3A_38 = arith.constant 0 : index
    %get3A_39 = vector.load %arg1[%get3A_36, %get3A_37, %get3A_38] : memref<50x128x128xf32, #tpu.memory_space<vmem>>, vector<50x128x128xf32>
    %dot_general3A_40 = arith.constant dense<0.000000e+00> : vector<20x50x128xf32>
    %dot_general3A_41 = tpu.matmul %get3A_35, %get3A_39, %dot_general3A_40 {dimension_numbers = #tpu.dot_dimension_numbers<[1], [2], [0], [0, 1], [0, 0, 1, 0, 1, 1], [], []>, transpose_lhs_hint = false} : vector<20x128xf32>, vector<50x128x128xf32>, vector<20x50x128xf32> -> vector<20x50x128xf32>
    %concatenate3A = tpu.concatenate %dot_general3A_8, %dot_general3A_19, %dot_general3A_30, %dot_general3A_41 in 2 : vector<20x50x128xf32>, vector<20x50x128xf32>, vector<20x50x128xf32>, vector<20x50x128xf32> -> vector<20x50x512xf32>
    %get3A_42 = arith.constant 0 : index
    %get3A_43 = arith.constant 0 : index
    %get3A_44 = vector.load %arg3[%get3A_42, %get3A_43] : memref<512x512xf32, #tpu.memory_space<vmem>>, vector<512x512xf32>
    %dot_general3A_45 = arith.constant dense<0.000000e+00> : vector<20x50x512xf32>
    %dot_general3A_46 = tpu.matmul %concatenate3A, %get3A_44, %dot_general3A_45 {dimension_numbers = #tpu.dot_dimension_numbers<[2], [0], [0, 1], [1], [0, 0, 0, 1, 1, 1], [], []>, transpose_lhs_hint = false} : vector<20x50x512xf32>, vector<512x512xf32>, vector<20x50x512xf32> -> vector<20x50x512xf32>
    %swap3A = arith.constant 0 : index
    %swap3A_47 = arith.constant 0 : index
    %swap3A_48 = arith.constant 0 : index
    %swap3A_49 = vector.load %arg4[%swap3A, %swap3A_47, %swap3A_48] : memref<20x50x512xf32, #tpu.memory_space<vmem>>, vector<20x50x512xf32>
    tpu.vector_store %arg4[%swap3A, %swap3A_47, %swap3A_48], %dot_general3A_46 {strides = array<i32>} : memref<20x50x512xf32, #tpu.memory_space<vmem>>, vector<20x50x512xf32>,
    return
  }
  func.func @transform_0(%arg0: i32) -> (i32, i32, i32) {
    %c0_i32 = arith.constant 0 : i32
    %c0_i32_0 = arith.constant 0 : i32
    %c0_i32_1 = arith.constant 0 : i32
    return %c0_i32, %arg0, %c0_i32_0 : i32, i32, i32
  }
  func.func @transform_1(%arg0: i32) -> (i32, i32, i32) {
    %c0_i32 = arith.constant 0 : i32
    %c0_i32_0 = arith.constant 0 : i32
    %c0_i32_1 = arith.constant 0 : i32
    %c0_i32_2 = arith.constant 0 : i32
    return %c0_i32, %c0_i32_0, %c0_i32_1 : i32, i32, i32
  }
  func.func @transform_2(%arg0: i32) -> (i32, i32) {
    %c0_i32 = arith.constant 0 : i32
    %c0_i32_0 = arith.constant 0 : i32
    %c0_i32_1 = arith.constant 0 : i32
    return %c0_i32, %c0_i32_0 : i32, i32
  }
  func.func @transform_3(%arg0: i32) -> (i32, i32, i32) {
    %c0_i32 = arith.constant 0 : i32
    %c0_i32_0 = arith.constant 0 : i32
    %c0_i32_1 = arith.constant 0 : i32
    return %c0_i32, %c0_i32_0, %arg0 : i32, i32, i32
  }
}

</mosaic_0001>

<sc_bundles>
// kernel: kernel.5.cloned.1.call-start
scs
__scs_entry_jumppad:
0x0: {  	(pc) =	sbr.rel $0x88, $3  }
0x1: {  	(tag) =	ssettag $0x0;
	lr =	simm.s32 $0x1  }
0x2: {  	[smem:$0x3F9D] =	sst lr;
	_ =	strace $0xD0000000  }
0x3: {  	_ = 	snop  }
0x4: {  	_ = 	snop  }
0x5: {  	_ = 	snop  }
0x6: {  	_ = 	snop  }
0x7: {  	_ = 	snop  }
__scs_overlays_trampoline_lowered:
0x8: {  	[smem:$0x3FAC] =	sst s0  }
0x9: {  	[smem:$0x3FAD] =	sst s1  }
0xa: {  	[smem:$0x3FAE] =	sst s2  }
0xb: {  	[smem:$0x3FAF] =	sst s3  }
0xc: {  	[smem:$0x3FB0] =	sst s4  }
0xd: {  	[smem:$0x3FB1] =	sst s5  }
0xe: {  	[smem:$0x3FB2] =	sst s6  }
0xf: {  	[smem:$0x3FB3] =	sst s7  }
0x10: {  	[smem:$0x3FB4] =	sst s8  }
0x11: {  	[smem:$0x3FB5] =	sst s9;
	s0 =	simm.s32 @!p0 $0x0  }
0x12: {  	s1 =	sld [smem:$0x3F9B];
	s0 =	simm.s32 @p0 $0x1  }
0x13: {  	[smem:$0x3FB6] =	sst s0;
	s0 =	simm.s32 @!p1 $0x0  }
0x14: {  	s2 =	sld [smem:$0x3F9A];
	s0 =	simm.s32 @p1 $0x1  }
0x15: {  	[smem:$0x3FB7] =	sst s0;
	s0 =	simm.s32 @!p2 $0x0  }
0x16: {  	s3 =	sld [smem:$0x3FDB];
	s0 =	simm.s32 @p2 $0x1  }
0x17: {  	s4 =	simm.s32 $0x1BF5;
	[smem:$0x3FB9] =	sst s0  }
0x18: {  	s0 =	sld [smem:$0x3F9C];
	_ =	swait.ge [sflag:s4], $0x0  }
0x19: {  	s7 =	sld [smem:$0x3F9D]  }
0x1a: {  	s8 =	sadd.s32 $0xFFFFE003, lr  }
0x1b: {  	s9 =	sadd.s32 $0xFFFFFEF7, lr;
	s5 =	simm.s32 $0xFFFFFFFF;
	p2 =	slt.u32 s8, $0xFFFFF086  }
0x1c: {  	p1 =	slt.u32 s9, $0xF7A;
	s5 =	simm.s32 @!p2 $0x0  }
0x1d: {  	s5 =	simm.s32 @p1 $0x1;
	p0 =	seq.s32 s7, s2  }
0x1e: {  	s7 =	smul.u32 @!p0 $0xF7A, s2;
	p2 =	seq.s32 @!p0 s5, $0x0  }
0x1f: {  	s9 =	smul.u32 $0xF7A, s1;
	s8 =	simm.s32 @!p0 $0x1BF5;
	p2 =	por !p2, p0  }
0x20: {  	[sflag:s8] =	ssyncset.s32 @!p0 $0xFFFFF086;
	s6 =	sadd.s32 @!p0 s3, s7;
	s7 =	simm.s32 @!p0 $0x108  }
0x21: {  	s3 =	sadd.s32 s3, s9;
	s6 =	sadd.s32 @!p0 $0x88, s6;
	s7 =	simm.s32 @p2 $0x1082  }
0x22: {  	[simem:s7], [sflag:s8] =	dma.local @!p0 [hbm:s6], $0xF7A  }
0x23: {  	s9 =	sor.u32 $0xD0000000, s2;
	s6 =	simm.s32 $0x108;
	_ =	swait.ge @!p0 [sflag:s8], $0x0  }
0x24: {  	s3 =	sadd.s32 $0x88, s3;
	s6 =	simm.s32 @!p1 $0x1082;
	[sflag:s4] =	ssyncset.s32 $0xFFFFF086  }
0x25: {  	[simem:s6], [sflag:s4] =	dma.local [hbm:s3], $0xF7A  }
0x26: {  	[smem:$0x3F9D] =	sst s1;
	(tag) =	ssettag s2;
	_ =	strace s9  }
0x27: {  	s1 =	sld [smem:$0x3FAD]  }
0x28: {  	s2 =	sld [smem:$0x3FAE]  }
0x29: {  	s4 =	sld [smem:$0x3FB0]  }
0x2a: {  	p0 =	seq.s32 s5, $0x0;
	s5 =	sld [smem:$0x3FB1]  }
0x2b: {  	s6 =	sld [smem:$0x3FB2]  }
0x2c: {  	s7 =	sld [smem:$0x3FB3]  }
0x2d: {  	s3 =	simm.s32 $0x108;
	s8 =	sld [smem:$0x3FB4]  }
0x2e: {  	s3 =	simm.s32 @!p0 $0x1082;
	s9 =	sld [smem:$0x3FB5]  }
0x2f: {  	lr =	sadd.s32 s0, s3;
	s0 =	sld [smem:$0x3FAC]  }
0x30: {  	s3 =	sld [smem:$0x3FAF]  }
0x31: {  	[smem:$0x3FB8] =	sst s10  }
0x32: {  	s10 =	sld [smem:$0x3FB6];
	_ =	sdelay $0x3  }
0x33: {  	p0 =	seq.s32 s10, $0x1;
	s10 =	sld [smem:$0x3FB8];
	_ =	sdelay $0x3  }
0x34: {  	[smem:$0x3FB8] =	sst s10  }
0x35: {  	s10 =	sld [smem:$0x3FB7];
	_ =	sdelay $0x3  }
0x36: {  	p1 =	seq.s32 s10, $0x1;
	s10 =	sld [smem:$0x3FB8];
	_ =	sdelay $0x3  }
0x37: {  	[smem:$0x3FB8] =	sst s10  }
0x38: {  	s10 =	sld [smem:$0x3FB9]  }
0x39: {  	_ = 	snop;
	(pc) =	sbr.ind lr, $3  }
0x3a: {  	_ = 	snop  }
0x3b: {  	_ = 	snop  }
0x3c: {  	p2 =	seq.s32 s10, $0x1;
	s10 =	sld [smem:$0x3FB8]  }
0x3d: {  	_ =	shalt  }
0x3e: {  	_ =	shalt  }
0x3f: {  	_ =	shalt  }
0x40: {  	_ =	shalt  }
0x41: {  	_ =	shalt  }
0x42: {  	_ =	shalt  }
0x43: {  	_ =	shalt  }
0x44: {  	_ =	shalt  }
0x45: {  	_ =	shalt  }
0x46: {  	_ =	shalt  }
0x47: {  	_ =	shalt  }
0x48: {  	_ =	shalt  }
0x49: {  	_ =	shalt  }
0x4a: {  	_ =	shalt  }
0x4b: {  	_ =	shalt  }
0x4c: {  	_ =	shalt  }
0x4d: {  	_ =	shalt  }
0x4e: {  	_ =	shalt  }
0x4f: {  	_ =	shalt  }
0x50: {  	_ =	shalt  }
0x51: {  	_ =	shalt  }
0x52: {  	_ =	shalt  }
0x53: {  	_ =	shalt  }
0x54: {  	_ =	shalt  }
0x55: {  	_ =	shalt  }
0x56: {  	_ =	shalt  }
0x57: {  	_ =	shalt  }
0x58: {  	_ =	shalt  }
0x59: {  	_ =	shalt  }
0x5a: {  	_ =	shalt  }
0x5b: {  	_ =	shalt  }
0x5c: {  	_ =	shalt  }
0x5d: {  	_ =	shalt  }
0x5e: {  	_ =	shalt  }
0x5f: {  	_ =	shalt  }
0x60: {  	_ =	shalt  }
0x61: {  	_ =	shalt  }
0x62: {  	_ =	shalt  }
0x63: {  	_ =	shalt  }
0x64: {  	_ =	shalt  }
0x65: {  	_ =	shalt  }
0x66: {  	_ =	shalt  }
0x67: {  	_ =	shalt  }
0x68: {  	_ =	shalt  }
0x69: {  	_ =	shalt  }
0x6a: {  	_ =	shalt  }
0x6b: {  	_ =	shalt  }
0x6c: {  	_ =	shalt  }
0x6d: {  	_ =	shalt  }
0x6e: {  	_ =	shalt  }
0x6f: {  	_ =	shalt  }
0x70: {  	_ =	shalt  }
0x71: {  	_ =	shalt  }
0x72: {  	_ =	shalt  }
0x73: {  	_ =	shalt  }
0x74: {  	_ =	shalt  }
0x75: {  	_ =	shalt  }
0x76: {  	_ =	shalt  }
0x77: {  	_ =	shalt  }
0x78: {  	_ =	shalt  }
0x79: {  	_ =	shalt  }
0x7a: {  	_ =	shalt  }
0x7b: {  	_ =	shalt  }
0x7c: {  	_ =	shalt  }
0x7d: {  	_ =	shalt  }
0x7e: {  	_ =	shalt  }
0x7f: {  	_ =	shalt  }
0x80: {  	_ =	shalt  }
0x81: {  	_ =	shalt  }
0x82: {  	_ =	shalt  }
0x83: {  	_ =	shalt  }
0x84: {  	_ =	shalt  }
0x85: {  	_ =	shalt  }
0x86: {  	_ =	shalt  }
0x87: {  	_ =	shalt  }
.Lfunc_end0:
.L_simem_size_0:
called_computation_lowered:
.L_overlay_start_0:
0x88: {  	s2 =	sld [smem:$0x3FD9]  }
0x89: {  	s3 =	sld [smem:$0x3FFE];
	_ =	sdelay $0x1  }
0x8a: {  	s1 =	srdreg.scid  }
0x8b: {  	s0 =	sand.u32 $0x1, s1  }
0x8c: {  	s17 =	sshll.u32 s0, $0xA;
	s2 =	sadd.s32 s3, s2  }
0x8d: {  	s2 =	sadd.s32 s2, s17  }
0x8e: {  	[smem:$0x3FC4] =	sst s2  }
0x8f: {  	_ = 	snop  }
0x90: {  	s2 =	sld [smem:$0x3FD0];
	(tm) =	ssettm $0x1  }
0x91: {  	s18 =	sld [smem:$0x3FFB];
	_ =	sdelay $0x3  }
0x92: {  	_ =	strace s18  }
0x93: {  	s3 =	sld [smem:$0x3FFC];
	_ =	sdelay $0x3  }
0x94: {  	_ =	strace s3  }
0x95: {  	s3 =	sld [smem:$0x3FFD];
	_ =	sdelay $0x3  }
0x96: {  	_ =	strace s3  }
0x97: {  	_ =	strace $0x8FFFFFFF  }
0x98: {  	s19 =	sld [smem:$0x3FDB];
	_ =	sdelay $0x1  }
0x99: {  	s4 =	simm.s32 $_scs_section_size  }
0x9a: {  	s5 =	simm.s32 $_size__tile_overlayer_lowered;
	s6 =	simm.s32 $_tile_overlayer_lowered  }
0x9b: {  	s22 =	simm.s32 $0x1BFF;
	s21 =	sshll.u32 s6, $0x1;
	s3 =	sadd.s32 s4, s19  }
0x9c: {  	s7 =	simm.s32 $0x0;
	s20 =	sshll.u32 s5, $0x1;
	s5 =	sadd.s32 s21, s3  }
0x9d: {  	[timem:s7], [sflag:s22] =	dma.local [hbm:s5], s20  }
0x9e: {  	_ =	swait.ge [sflag:s22], s20  }
0x9f: {  	s4 =	ssub.s32 $0x0, s20;
	[sflag:s22] =	ssyncset.done $0x0  }
0xa0: {  	[sflag:s22] =	ssyncadd.s32 s4;
	_ =	sdelay $0x1  }
0xa1: {  	s23 =	simm.s32 $0x1B8B  }
0xa2: {  	_ =	swait.ge [sflag:s23], $0x1  }
0xa3: {  	[sflag:s23] =	ssyncset.done $0x0  }
0xa4: {  	s25 =	simm.s32 $0x1B8E;
	s24 =	sld [smem:$0x3FFE];
	[sflag:s23] =	ssyncadd.s32 $0xFFFFFFFF  }
0xa5: {  	s26 =	simm.s32 $execute0_lowered;
	[smem:$0x3FD2] =	sst s25  }
0xa6: {  	s5 =	sshll.u32 s26, $0x1;
	_ =	strace $0x80000046;
	[dreg:$0x1] =	wrdreg $0xFFFFFFFF  }
0xa7: {  	s28 =	simm.s32 $_size_execute0_lowered;
	s3 =	sadd.s32 s3, s5;
	[dreg:$0x0] =	wrdreg $0x0  }
0xa8: {  	s5 =	sshll.u32 s28, $0x1;
	[dreg:$0x2] =	wrdreg s3  }
0xa9: {  	[dreg:$0x3] =	wrdreg s5  }
0xaa: {  	[dreg:$0x4] =	wrdreg $0xC0  }
0xab: {  	_ =	task [dreg:s7], $0x5FFFF  }
0xac: {  	[dreg:$0x1] =	wrdreg $0xFFFFFFFF  }
0xad: {  	[dreg:$0x0] =	wrdreg $0x60  }
0xae: {  	[dreg:$0x2] =	wrdreg s2  }
0xaf: {  	[dreg:$0x3] =	wrdreg s24  }
0xb0: {  	[dreg:$0x4] =	wrdreg $0x9  }
0xb1: {  	_ =	task.clear_ibuf [dreg:s7], $0x5FFFF;
	_ =	strace $0x90000046  }
0xb2: {  	s29 =	simm.s32 $0x9;
	_ =	strace $0x80000048  }
0xb3: {  	_ =	swait.ge [sflag:s29], $0x1  }
0xb4: {  	[sflag:s29] =	ssyncadd.s32 $0xFFFFFFFF  }
0xb5: {  	_ =	strace $0x90000048  }
0xb6: {  	_ =	sfence  }
0xb7: {  	s30 =	sld [smem:$0x0];
	_ =	sdelay $0x2  }
0xb8: {  	s31 =	sshll.u32 s1, $0xD;
	s1 =	sshrl.u32 s1, $0x2  }
0xb9: {  	s3 =	sand.u32 $0x4000, s31;
	s1 =	sadd.s32 s1, s30  }
0xba: {  	s0 =	sor.u32 s3, s0;
	s1 =	sshll.u32 s1, $0x11  }
0xbb: {  	s0 =	sor.u32 s1, s0  }
0xbc: {  	s0 =	sadd.s32 $0x8F2B, s0  }
0xbd: {  	[sflag:s0] =	ssyncadd.remote.s32 $0x1  }
0xbe: {  	_ =	sfence.sel $0xFFFF  }
0xbf: {  	[dreg:$0x0] =	wrdreg $0xFFFFFFFF;
	(pc) =	sbr.abs _section_cstart, $3  }
0xc0: {  	[dreg:$0x1] =	wrdreg $0xFFFFFFFF  }
0xc1: {  	_ =	task.clear_ibuf [dreg:s7], $0x2FFFF;
	_ =	strace $0x9FFFFFFF  }
0xc2: {  	(tm) =	ssettm $0x7FFFFFFF  }
0xc3: {  	_ =	shalt  }
tec
execute0_lowered:
.L_overlay_start_1:
0x0: {  	(tag) =	ssettag $0x1  }
0x1: {  	s0 =	srdreg.scid  }
0x2: {  	s7 =	stileid.u32;
	s2 =	rddreg [dreg:$0x0]  }
0x3: {  	s4 =	rddreg [dreg:$0x1];
	s3 =	simm.s32 $0x0;
	s12 =	simm.s32 $0x5  }
0x4: {  	s13 =	simm.s32 $0x80;
	s14 =	simm.s32 $0x6400;
	s15 =	simm.s32 $0x7400  }
0x5: {  	s17 =	simm.s32 $0x8400;
	s19 =	simm.s32 $0x9400;
	s21 =	simm.s32 $0xA400  }
0x6: {  	s23 =	simm.s32 $0xB400;
	s28 =	simm.s32 $0xD400;
	s29 =	simm.s32 $0x1  }
0x7: {  	s30 =	simm.s32 $0x3;
	s18 =	simm.s32 $0x2;
	s20 =	simm.s32 $0x4  }
0x8: {  	s0 =	sand.u32 $0x1, s0;
	s1 =	sshll.u32 s7, $0x1;
	s7 =	smul.u32 $0x190000, s7  }
0x9: {  	s1 =	sor.u32 s0, s1;
	s6 =	ssub.s32 $0x2, s0;
	s0 =	smul.u32 $0xC8000, s0  }
0xa: {  	s31 =	simm.s32 $0x6380;
	[smem:$0x7FF] =	sst s3;
	s5 =	smul.u32 $0xC80, s1  }
0xb: {  	_ =	strace $0x80000047;
	s1 =	smul.u32 $0xC8000, s1;
	s8 =	sshrl.u32 s6, $0x1  }
0xc: {  	s6 =	ssub.s32 s6, s8;
	s0 =	sadd.s32 s0, s7;
	s5 =	sadd.s32 s5, s4  }
0xd: {  	s4 =	sadd.s32 $0x19600, s4;
	s1 =	sshrl.u32 s1, $0x3;
	s6 =	smax.u32 s6, $0x1  }
0xe: {  	s25 =	sadd.s32 $0xC000, s0;
	s11 =	sadd.s32 $0x8000, s0;
	s5 =	sadd.s32 $0x600, s5  }
0xf: {  	s7 =	sadd.s32 s4, s1;
	s1 =	sshrl.u32 s25, $0x3;
	s25 =	simm.s32 $0xC400  }
0x10: {  	s8 =	sadd.s32 $0x800, s7;
	s9 =	sadd.s32 $0x18000, s7;
	s26 =	sadd.s32 s1, s4  }
0x11: {  	s10 =	sadd.s32 $0x18800, s7;
	s1 =	simm.s32 $0x0;
	[dreg:$0x3] =	wrdreg s26  }
.LBB2_1:
0x12: {  	[tilespmem:s3], [sflag:$0x5] =	stream.linear.gather [hbm4b:s5+s3], $0x6400, $0x38;
	[tilespmem:$0xE400] =	vst v63  }
0x13: {  	_ =	swait.ge [sflag:s12], $0x6400  }
0x14: {  	[sflag:s12] =	ssyncset.done $0x0  }
0x15: {  	[sflag:s12] =	ssyncadd.s32 $0xFFFF9C00  }
0x16: {  	[tilespmem:s14], [sflag:$0x1] =	stream.indirect.gather [hbm4b:s2+s13], $0x20, s3, s13, $0xb8;
	[tilespmem:$0xE400] =	vst v63  }
0x17: {  	_ = 	snop  }
0x18: {  	[tilespmem:s15], [sflag:$0x1] =	stream.indirect.gather [hbm4b:s2+s13], $0x20, s13, s13, $0xb8;
	[tilespmem:$0xE400] =	vst v63  }
0x19: {  	s0 =	simm.s32 $0x100  }
0x1a: {  	[tilespmem:s17], [sflag:$0x1] =	stream.indirect.gather [hbm4b:s2+s13], $0x20, s0, s13, $0xb8;
	[tilespmem:$0xE400] =	vst v63  }
0x1b: {  	s24 =	simm.s32 $0x180  }
0x1c: {  	[tilespmem:s19], [sflag:$0x1] =	stream.indirect.gather [hbm4b:s2+s13], $0x20, s24, s13, $0xb8;
	[tilespmem:$0xE400] =	vst v63  }
0x1d: {  	s26 =	simm.s32 $0x200  }
0x1e: {  	[tilespmem:s21], [sflag:$0x2] =	stream.indirect.gather [hbm4b:s2+s13], $0x20, s26, s13, $0xb8;
	[tilespmem:$0xE400] =	vst v63  }
0x1f: {  	s16 =	simm.s32 $0x280  }
0x20: {  	[tilespmem:s23], [sflag:$0x2] =	stream.indirect.gather [hbm4b:s2+s13], $0x20, s16, s13, $0xb8;
	[tilespmem:$0xE400] =	vst v63  }
0x21: {  	s22 =	simm.s32 $0x300  }
0x22: {  	[tilespmem:s25], [sflag:$0x2] =	stream.indirect.gather [hbm4b:s2+s13], $0x20, s22, s13, $0xb8;
	[tilespmem:$0xE400] =	vst v63  }
0x23: {  	s24 =	simm.s32 $0x380  }
0x24: {  	[tilespmem:s28], [sflag:$0x2] =	stream.indirect.gather [hbm4b:s2+s13], $0x20, s24, s13, $0xb8;
	[tilespmem:$0xE400] =	vst v63  }
0x25: {  	_ =	swait.ge [sflag:s29], $0x4000  }
0x26: {  	[sflag:s29] =	ssyncset.done $0x0  }
0x27: {  	[sflag:s29] =	ssyncadd.s32 $0xFFFFC000  }
0x28: {  	[hbm4b:s7+s3] =	stream.linear.scatter [tilespmem:s14], [sflag:$0x3], $0x4000, $0x38;
	[tilespmem:$0xE400] =	vst v63  }
0x29: {  	_ =	swait.ge [sflag:s30], $0x4000  }
0x2a: {  	[sflag:s30] =	ssyncset.done $0x0  }
0x2b: {  	s26 =	simm.s32 $0x400;
	[sflag:s30] =	ssyncadd.s32 $0xFFFFC000  }
0x2c: {  	[tilespmem:s14], [sflag:$0x1] =	stream.indirect.gather [hbm4b:s2+s13], $0x20, s26, s13, $0xb8;
	[tilespmem:$0xE400] =	vst v63  }
0x2d: {  	s16 =	simm.s32 $0x480  }
0x2e: {  	[tilespmem:s15], [sflag:$0x1] =	stream.indirect.gather [hbm4b:s2+s13], $0x20, s16, s13, $0xb8;
	[tilespmem:$0xE400] =	vst v63  }
0x2f: {  	s22 =	simm.s32 $0x500  }
0x30: {  	[tilespmem:s17], [sflag:$0x1] =	stream.indirect.gather [hbm4b:s2+s13], $0x20, s22, s13, $0xb8;
	[tilespmem:$0xE400] =	vst v63  }
0x31: {  	s24 =	simm.s32 $0x580  }
0x32: {  	[tilespmem:s19], [sflag:$0x1] =	stream.indirect.gather [hbm4b:s2+s13], $0x20, s24, s13, $0xb8;
	[tilespmem:$0xE400] =	vst v63  }
0x33: {  	_ =	swait.ge [sflag:s18], $0x4000  }
0x34: {  	[sflag:s18] =	ssyncset.done $0x0  }
0x35: {  	[sflag:s18] =	ssyncadd.s32 $0xFFFFC000  }
0x36: {  	[hbm4b:s8+s3] =	stream.linear.scatter [tilespmem:s21], [sflag:$0x4], $0x4000, $0x38;
	[tilespmem:$0xE400] =	vst v63  }
0x37: {  	_ =	swait.ge [sflag:s20], $0x4000  }
0x38: {  	[sflag:s20] =	ssyncset.done $0x0  }
0x39: {  	s26 =	simm.s32 $0x600;
	[sflag:s20] =	ssyncadd.s32 $0xFFFFC000  }
0x3a: {  	[tilespmem:s21], [sflag:$0x2] =	stream.indirect.gather [hbm4b:s2+s13], $0x20, s26, s13, $0xb8;
	[tilespmem:$0xE400] =	vst v63  }
0x3b: {  	s16 =	simm.s32 $0x680  }
0x3c: {  	[tilespmem:s23], [sflag:$0x2] =	stream.indirect.gather [hbm4b:s2+s13], $0x20, s16, s13, $0xb8;
	[tilespmem:$0xE400] =	vst v63  }
0x3d: {  	s22 =	simm.s32 $0x700  }
0x3e: {  	[tilespmem:s25], [sflag:$0x2] =	stream.indirect.gather [hbm4b:s2+s13], $0x20, s22, s13, $0xb8;
	[tilespmem:$0xE400] =	vst v63  }
0x3f: {  	s24 =	simm.s32 $0x780  }
0x40: {  	[tilespmem:s28], [sflag:$0x2] =	stream.indirect.gather [hbm4b:s2+s13], $0x20, s24, s13, $0xb8;
	[tilespmem:$0xE400] =	vst v63  }
0x41: {  	_ =	swait.ge [sflag:s29], $0x4000  }
0x42: {  	s26 =	sshrl.u32 s11, $0x3;
	[sflag:s29] =	ssyncset.done $0x0  }
0x43: {  	s0 =	sadd.s32 s4, s26;
	[sflag:s29] =	ssyncadd.s32 $0xFFFFC000  }
0x44: {  	[hbm4b:s0+s3] =	stream.linear.scatter [tilespmem:s14], [sflag:$0x3], $0x4000, $0x38;
	[tilespmem:$0xE400] =	vst v63  }
0x45: {  	_ =	swait.ge [sflag:s30], $0x4000  }
0x46: {  	[sflag:s30] =	ssyncset.done $0x0  }
0x47: {  	s16 =	simm.s32 $0x800;
	[sflag:s30] =	ssyncadd.s32 $0xFFFFC000  }
0x48: {  	[tilespmem:s14], [sflag:$0x1] =	stream.indirect.gather [hbm4b:s2+s13], $0x20, s16, s13, $0xb8;
	[tilespmem:$0xE400] =	vst v63  }
0x49: {  	s22 =	simm.s32 $0x880  }
0x4a: {  	[tilespmem:s15], [sflag:$0x1] =	stream.indirect.gather [hbm4b:s2+s13], $0x20, s22, s13, $0xb8;
	[tilespmem:$0xE400] =	vst v63  }
0x4b: {  	s24 =	simm.s32 $0x900  }
0x4c: {  	[tilespmem:s17], [sflag:$0x1] =	stream.indirect.gather [hbm4b:s2+s13], $0x20, s24, s13, $0xb8;
	[tilespmem:$0xE400] =	vst v63  }
0x4d: {  	s26 =	simm.s32 $0x980  }
0x4e: {  	[tilespmem:s19], [sflag:$0x1] =	stream.indirect.gather [hbm4b:s2+s13], $0x20, s26, s13, $0xb8;
	[tilespmem:$0xE400] =	vst v63  }
0x4f: {  	_ =	swait.ge [sflag:s18], $0x4000  }
0x50: {  	s0 =	simm.s32 $0x1000;
	s16 =	rddreg [dreg:$0x3];
	[sflag:s18] =	ssyncset.done $0x0  }
0x51: {  	[sflag:s18] =	ssyncadd.s32 $0xFFFFC000;
	s22 =	sadd.s32 $0x0, s16;
	s16 =	sadd.s32 $0x8000, s11  }
.LBB2_2:
0x52: {  	[hbm4b:s22+s3] =	stream.linear.scatter [tilespmem:s21], [sflag:$0x4], $0x4000, $0x38;
	[tilespmem:$0xE400] =	vst v63  }
0x53: {  	s22 =	smov.u32 s0;
	_ =	swait.ge [sflag:s20], $0x4000  }
0x54: {  	s24 =	sshra.s32 s22, $0x2;
	[sflag:s20] =	ssyncset.done $0x0  }
0x55: {  	s26 =	sadd.s32 $0x600, s24;
	[sflag:s20] =	ssyncadd.s32 $0xFFFFC000  }
0x56: {  	[tilespmem:s21], [sflag:$0x2] =	stream.indirect.gather [hbm4b:s2+s13], $0x20, s26, s13, $0xb8;
	[tilespmem:$0xE400] =	vst v63  }
0x57: {  	s26 =	sadd.s32 $0x680, s24  }
0x58: {  	[tilespmem:s23], [sflag:$0x2] =	stream.indirect.gather [hbm4b:s2+s13], $0x20, s26, s13, $0xb8;
	[tilespmem:$0xE400] =	vst v63  }
0x59: {  	s26 =	sadd.s32 $0x700, s24  }
0x5a: {  	[tilespmem:s25], [sflag:$0x2] =	stream.indirect.gather [hbm4b:s2+s13], $0x20, s26, s13, $0xb8;
	[tilespmem:$0xE400] =	vst v63  }
0x5b: {  	s26 =	sadd.s32 $0x780, s24  }
0x5c: {  	[tilespmem:s28], [sflag:$0x2] =	stream.indirect.gather [hbm4b:s2+s13], $0x20, s26, s13, $0xb8;
	[tilespmem:$0xE400] =	vst v63  }
0x5d: {  	_ =	swait.ge [sflag:s29], $0x4000  }
0x5e: {  	s26 =	sshrl.u32 s16, $0x3;
	[sflag:s29] =	ssyncset.done $0x0  }
0x5f: {  	s26 =	sadd.s32 s4, s26;
	[sflag:s29] =	ssyncadd.s32 $0xFFFFC000  }
0x60: {  	[hbm4b:s26+s3] =	stream.linear.scatter [tilespmem:s14], [sflag:$0x3], $0x4000, $0x38;
	[tilespmem:$0xE400] =	vst v63  }
0x61: {  	_ =	swait.ge [sflag:s30], $0x4000  }
0x62: {  	[sflag:s30] =	ssyncset.done $0x0  }
0x63: {  	s26 =	sadd.s32 $0x800, s24;
	[sflag:s30] =	ssyncadd.s32 $0xFFFFC000  }
0x64: {  	[tilespmem:s14], [sflag:$0x1] =	stream.indirect.gather [hbm4b:s2+s13], $0x20, s26, s13, $0xb8;
	[tilespmem:$0xE400] =	vst v63  }
0x65: {  	s26 =	sadd.s32 $0x880, s24  }
0x66: {  	[tilespmem:s15], [sflag:$0x1] =	stream.indirect.gather [hbm4b:s2+s13], $0x20, s26, s13, $0xb8;
	[tilespmem:$0xE400] =	vst v63  }
0x67: {  	p0 =	sne.s32 s0, $0x16000;
	s26 =	sadd.s32 $0x900, s24  }
0x68: {  	[tilespmem:s17], [sflag:$0x1] =	stream.indirect.gather [hbm4b:s2+s13], $0x20, s26, s13, $0xb8;
	[tilespmem:$0xE400] =	vst v63  }
.Ltmp0:
0x69: {  	s24 =	sadd.s32 $0x980, s24;
	(pc) =	sbr.rel @p0 .LBB2_2-.Ltmp0, $4  }
0x6a: {  	[tilespmem:s19], [sflag:$0x1] =	stream.indirect.gather [hbm4b:s2+s13], $0x20, s24, s13, $0xb8;
	[tilespmem:$0xE400] =	vst v63  }
0x6b: {  	_ =	swait.ge [sflag:s18], $0x4000  }
0x6c: {  	s0 =	sadd.s32 $0x1000, s0;
	[sflag:s18] =	ssyncset.done $0x0;
	s26 =	rddreg [dreg:$0x3]  }
0x6d: {  	s16 =	sadd.s32 $0x8000, s16;
	[sflag:s18] =	ssyncadd.s32 $0xFFFFC000;
	s22 =	sadd.s32 s22, s26  }
0x6e: {  	[hbm4b:s22+s3] =	stream.linear.scatter [tilespmem:s21], [sflag:$0x4], $0x4000, $0x38;
	[tilespmem:$0xE400] =	vst v63  }
0x6f: {  	_ =	swait.ge [sflag:s20], $0x4000  }
0x70: {  	[sflag:s20] =	ssyncset.done $0x0  }
0x71: {  	s0 =	simm.s32 $0x6200;
	[sflag:s20] =	ssyncadd.s32 $0xFFFFC000  }
0x72: {  	[tilespmem:s21], [sflag:$0x2] =	stream.indirect.gather [hbm4b:s2+s13], $0x20, s0, s13, $0xb8;
	[tilespmem:$0xE400] =	vst v63  }
0x73: {  	s24 =	simm.s32 $0x6280  }
0x74: {  	[tilespmem:s23], [sflag:$0x2] =	stream.indirect.gather [hbm4b:s2+s13], $0x20, s24, s13, $0xb8;
	[tilespmem:$0xE400] =	vst v63  }
0x75: {  	s26 =	simm.s32 $0x6300  }
0x76: {  	[tilespmem:s25], [sflag:$0x2] =	stream.indirect.gather [hbm4b:s2+s13], $0x20, s26, s13, $0xb8;
	[tilespmem:$0xE400] =	vst v63  }
0x77: {  	_ = 	snop  }
0x78: {  	[tilespmem:s28], [sflag:$0x2] =	stream.indirect.gather [hbm4b:s2+s13], $0x20, s31, s13, $0xb8;
	[tilespmem:$0xE400] =	vst v63  }
0x79: {  	_ =	swait.ge [sflag:s29], $0x4000  }
0x7a: {  	[sflag:s29] =	ssyncset.done $0x0  }
0x7b: {  	[sflag:s29] =	ssyncadd.s32 $0xFFFFC000  }
0x7c: {  	[hbm4b:s9+s3] =	stream.linear.scatter [tilespmem:s14], [sflag:$0x3], $0x4000, $0x38;
	[tilespmem:$0xE400] =	vst v63  }
0x7d: {  	_ =	swait.ge [sflag:s18], $0x4000  }
0x7e: {  	[sflag:s18] =	ssyncset.done $0x0  }
0x7f: {  	s1 =	sadd.s32 $0x1, s1;
	[sflag:s18] =	ssyncadd.s32 $0xFFFFC000  }
0x80: {  	[hbm4b:s10+s3] =	stream.linear.scatter [tilespmem:s21], [sflag:$0x4], $0x4000, $0x38;
	[tilespmem:$0xE400] =	vst v63  }
0x81: {  	p0 =	sne.s32 s1, s6;
	_ =	swait.ge [sflag:s30], $0x4000  }
.Ltmp1:
0x82: {  	[sflag:s30] =	ssyncset.done $0x0;
	(pc) =	sbr.rel @p0 .LBB2_1-.Ltmp1, $4  }
0x83: {  	[sflag:s30] =	ssyncadd.s32 $0xFFFFC000  }
0x84: {  	_ =	swait.ge [sflag:s20], $0x4000  }
0x85: {  	[sflag:s20] =	ssyncset.done $0x0  }
0x86: {  	[sflag:s20] =	ssyncadd.s32 $0xFFFFC000  }
0x87: {  	_ =	sfence.sel $0x180000  }
0x88: {  	[bflag:$0x0] =	sbarrier.arrive $0xFFFF  }
0x89: {  	_ =	strace $0x90000047  }
0x8a: {  	s0 =	stileid.u32;
	[bflag:$0x2] =	sbarrier.arrive $0xFFFF  }
0x8b: {  	p0 =	sne.s32 s0, $0x0;
	s0 =	rddreg [dreg:$0x2]  }
0x8c: {  	s0 =	sadd.s32 @!p0 $0x100000, s0  }
0x8d: {  	[sflag:s0] =	ssyncadd.tile.s32 @!p0 $0x1;
	_ =	shalt  }
.Lfunc_end2:
_tile_overlayer_lowered:
.L_overlay_start_2:
0x8e: {  	(tag) =	ssettag $0x2  }
0x8f: {  	s0 =	rddreg [dreg:$0x0];
	s2 =	stileid.u32  }
0x90: {  	s1 =	rddreg [dreg:$0x1];
	p0 =	sne.s32 s2, $0x0  }
0x91: {  	s3 =	rddreg [dreg:$0x2];
	[bflag:$0x3] =	sbarrier.arrive $0xFFFF;
	s2 =	simm.s32 @!p0 $0x1C05  }
0x92: {  	[timem:s3], [sflag:s2] =	dma.local @!p0 [hbm:s0], s1  }
0x93: {  	s0 =	simm.s32 @!p0 $0x5  }
0x94: {  	_ =	swait.ge @!p0 [sflag:s0], s1  }
0x95: {  	s1 =	ssub.s32 @!p0 $0x0, s1;
	[sflag:s0] =	ssyncset.done @!p0 $0x0  }
0x96: {  	[sflag:s0] =	ssyncadd.s32 @!p0 s1  }
0x97: {  	[bflag:$0x3] =	sbarrier.arrive $0xFFFF  }
0x98: {  	_ =	shalt  }

</sc_bundles>
